<compile_context>
chip_gen: v7x
topology: tpu7x:2x2x1
jax: 0.10.2.dev20260603
libtpu: 0.0.44.dev20260713+nightly
codegen_flags: <defaults>
</compile_context>

<pallas_src>
import functools

import jax
import jax.numpy as jnp
from jax import lax
from jax.experimental import pallas as pl
from jax.experimental.pallas import tpu as pltpu
from jax.experimental.pallas import tpu_sc as plsc

_B = 4096
_T = 50
_D = 64
_NC, _NS = 2, 16
_NW = _NC * _NS
_BPW = _B // _NW
_TP = _T // 2
_NG = 6
_NFULL = (_T - 2) // _NG


def _make_sc_gather():
  mesh = plsc.VectorSubcoreMesh(core_axis_name="c", subcore_axis_name="s")

  @functools.partial(
      pl.kernel,
      mesh=mesh,
      out_type=jax.ShapeDtypeStruct((_TP, _B, 2 * _D), jnp.float32),
      compiler_params=pltpu.CompilerParams(use_tc_tiling_on_sc=False),
      scratch_types=(
          [pltpu.VMEM((_T, _BPW), jnp.int32)]
          + [pltpu.VMEM((_BPW, _D), jnp.float32)] * _NG
          + [pltpu.SemaphoreType.DMA] * (2 * _NG)
      ),
  )
  def sc_gather(indt_hbm, table_hbm, inter_hbm, idx_v, *scratch):
    gbufs = scratch[:_NG]
    gsems = scratch[_NG:2 * _NG]
    ssems = scratch[2 * _NG:]
    wid = lax.axis_index("s") * _NC + lax.axis_index("c")
    woff = pl.multiple_of(wid * _BPW, _BPW)

    pltpu.sync_copy(indt_hbm.at[:, pl.ds(woff, _BPW)], idx_v)

    def gather_copy(t, g):
      return pltpu.make_async_copy(
          table_hbm.at[idx_v.at[t]], gbufs[g], gsems[g])

    def store_copy(t, g):
      tp = lax.rem(t, _TP)
      par = t // _TP
      return pltpu.make_async_copy(
          gbufs[g],
          inter_hbm.at[tp, pl.ds(woff, _BPW),
                       pl.ds(pl.multiple_of(par * _D, _D), _D)],
          ssems[g])

    for t0 in range(_NG - 1):
      gather_copy(t0, t0).start()

    def body(o, carry):
      for k in range(_NG):
        t = o * _NG + k
        kn = (k + _NG - 1) % _NG
        gather_copy(t, k).wait()
        if k == 0:
          @pl.when(o >= 1)
          def _(t=t, kn=kn):
            store_copy(t - 1, kn).wait()
        else:
          store_copy(t - 1, kn).wait()
        if (_NFULL - 1) * _NG + k + _NG - 1 >= _T:
          @pl.when(o < _NFULL - 1)
          def _(t=t, kn=kn):
            gather_copy(t + _NG - 1, kn).start()
        else:
          gather_copy(t + _NG - 1, kn).start()
        store_copy(t, k).start()
      return carry
    lax.fori_loop(0, _NFULL, body, 0)

    gather_copy(_T - 2, (_T - 2) % _NG).wait()
    store_copy(_T - 3, (_T - 3) % _NG).wait()
    store_copy(_T - 2, (_T - 2) % _NG).start()
    gather_copy(_T - 1, (_T - 1) % _NG).wait()
    store_copy(_T - 1, (_T - 1) % _NG).start()
    store_copy(_T - 2, (_T - 2) % _NG).wait()
    store_copy(_T - 1, (_T - 1) % _NG).wait()

  return sc_gather


_sc_gather = _make_sc_gather()


def _tc_body(x_ref, o_ref):
  xt = x_ref[0].T
  o_ref[0, 0] = xt[:_D, :]
  o_ref[1, 0] = xt[_D:, :]


_tc_transpose = pl.pallas_call(
    _tc_body,
    grid=(_TP,),
    in_specs=[pl.BlockSpec((1, _B, 2 * _D), lambda tp: (tp, 0, 0))],
    out_specs=pl.BlockSpec((2, 1, _D, _B), lambda tp: (0, tp, 0, 0)),
    out_shape=jax.ShapeDtypeStruct((2, _TP, _D, _B), jnp.float32),
)


def kernel(ind, weight):
  inter = _sc_gather(ind.astype(jnp.int32).T, weight)
  out4 = _tc_transpose(inter)
  return out4.transpose(3, 0, 1, 2).reshape(_B, _T, _D)

# --- scband reference (transcript-rebuilt; emitter-appended) ---
"""Pipeline reference for scband-custom-embedding-18193481465989 (READ-ONLY COPY).

The authoritative reference and input builder live on the scoring server;
editing this copy changes nothing except your own understanding.
"""

import jax, jax.numpy as jnp
import numpy as np

INP = 100000
OUT = 64
PADDING_IDX = 0


def setup_inputs(seed: int = 0) -> dict:
    key = jax.random.key(seed)
    k_ind, k_w = jax.random.split(key)
    ind = jax.random.randint(k_ind, (4096, 50), 0, INP, dtype=jnp.int64 if jax.config.jax_enable_x64 else jnp.int32)
    weight = jax.random.normal(k_w, (INP, OUT), dtype=jnp.float32)
    if PADDING_IDX is not None:
        weight = weight.at[PADDING_IDX].set(0.0)
    return {"ind": ind, "weight": weight}


def reference(ind, weight):
    ind_shape = ind.shape
    flat = ind.reshape(-1)
    emb = jnp.take(weight, flat, axis=0)
    emb = emb.reshape(*ind_shape, weight.shape[1])
    return emb

if __name__ == "__main__":
    import jax
    _d = setup_inputs()
    print(jax.jit(kernel)(*tuple(_d.values())))

</pallas_src>

<mosaic_0001>
#map = affine_map<(d0, d1) -> (0, 0)>
#map1 = affine_map<(d0, d1) -> (0, 0, 0)>
module attributes {stable_mosaic.version = 14 : i64} {
  func.func @sc_gather(%arg0: i32, %arg1: i32, %arg2: memref<50x4096xi32, #tpu.memory_space<hbm>>, %arg3: memref<100000x64xf32, #tpu.memory_space<hbm>>, %arg4: memref<25x4096x128xf32, #tpu.memory_space<hbm>>, %arg5: memref<50x128xi32, #tpu.memory_space<vmem>>, %arg6: memref<128x64xf32, #tpu.memory_space<vmem>>, %arg7: memref<128x64xf32, #tpu.memory_space<vmem>>, %arg8: memref<128x64xf32, #tpu.memory_space<vmem>>, %arg9: memref<128x64xf32, #tpu.memory_space<vmem>>, %arg10: memref<128x64xf32, #tpu.memory_space<vmem>>, %arg11: memref<128x64xf32, #tpu.memory_space<vmem>>, %arg12: memref<!tpu.dma_semaphore, #tpu.memory_space<semaphore_mem>>, %arg13: memref<!tpu.dma_semaphore, #tpu.memory_space<semaphore_mem>>, %arg14: memref<!tpu.dma_semaphore, #tpu.memory_space<semaphore_mem>>, %arg15: memref<!tpu.dma_semaphore, #tpu.memory_space<semaphore_mem>>, %arg16: memref<!tpu.dma_semaphore, #tpu.memory_space<semaphore_mem>>, %arg17: memref<!tpu.dma_semaphore, #tpu.memory_space<semaphore_mem>>, %arg18: memref<!tpu.dma_semaphore, #tpu.memory_space<semaphore_mem>>, %arg19: memref<!tpu.dma_semaphore, #tpu.memory_space<semaphore_mem>>, %arg20: memref<!tpu.dma_semaphore, #tpu.memory_space<semaphore_mem>>, %arg21: memref<!tpu.dma_semaphore, #tpu.memory_space<semaphore_mem>>, %arg22: memref<!tpu.dma_semaphore, #tpu.memory_space<semaphore_mem>>, %arg23: memref<!tpu.dma_semaphore, #tpu.memory_space<semaphore_mem>>) attributes {dimension_semantics = [#tpu.dimension_semantics<core_parallel>, #tpu.dimension_semantics<subcore_parallel>], iteration_bounds = array<i64: 2, 16>, scalar_prefetch = 0 : i64, scratch_operands = 19 : i64, tpu.core_type = #tpu.core_type<sc_vector_subcore>, window_params = [{transform_indices = #map}, {transform_indices = #map}, {transform_indices = #map1}]} {
    %mul3A = arith.constant 2 : i32
    %mul3A_0 = arith.muli %arg1, %mul3A : i32
    %add3A = arith.addi %mul3A_0, %arg0 : i32
    %mul3A_1 = arith.constant 128 : i32
    %mul3A_2 = arith.muli %add3A, %mul3A_1 : i32
    %multiple_of3A = tpu.assume_multiple %mul3A_2, 128 : i32
    "tpu.region"() ({
      %run_scoped3A = tpu.sem_alloc : memref<!tpu.dma_semaphore, #tpu.memory_space<semaphore_mem>>
      %dma_start3A_99 = arith.constant 0 : i32
      %dma_start3A_100 = tpu.memref_slice %arg2[%dma_start3A_99, %multiple_of3A] : memref<50x4096xi32, #tpu.memory_space<hbm>> -> memref<50x128xi32, #tpu.memory_space<hbm>>
      %dma_start3A_101 = arith.constant 0 : i32
      %dma_start3A_102 = tpu.memref_slice %arg2[%dma_start3A_101, %multiple_of3A] : memref<50x4096xi32, #tpu.memory_space<hbm>> -> memref<50x128xi32, #tpu.memory_space<hbm>>
      tpu.enqueue_dma source(%dma_start3A_102 : memref<50x128xi32, #tpu.memory_space<hbm>>) target(%arg5 : memref<50x128xi32, #tpu.memory_space<vmem>>) target_semaphore(%run_scoped3A : memref<!tpu.dma_semaphore, #tpu.memory_space<semaphore_mem>>)
      %dma_wait3A_103 = arith.constant 0 : i32
      %dma_wait3A_104 = tpu.memref_slice %arg2[%dma_wait3A_103, %multiple_of3A] : memref<50x4096xi32, #tpu.memory_space<hbm>> -> memref<50x128xi32, #tpu.memory_space<hbm>>
      %dma_wait3A_105 = arith.constant 0 : i32
      %dma_wait3A_106 = tpu.memref_slice %arg2[%dma_wait3A_105, %multiple_of3A] : memref<50x4096xi32, #tpu.memory_space<hbm>> -> memref<50x128xi32, #tpu.memory_space<hbm>>
      tpu.wait_dma2 semaphore(%run_scoped3A : memref<!tpu.dma_semaphore, #tpu.memory_space<semaphore_mem>>) src(%dma_wait3A_106 : memref<50x128xi32, #tpu.memory_space<hbm>>) dst(%arg5 : memref<50x128xi32, #tpu.memory_space<vmem>>)
      tpu.yield
    }) : () -> ()
    %dma_start3A = arith.constant 0 : i32
    %dma_start3A_3 = arith.constant 0 : i32
    %dma_start3A_4 = tpu.memref_slice %arg5[%dma_start3A, %dma_start3A_3] : memref<50x128xi32, #tpu.memory_space<vmem>> -> memref<1x128xi32, #tpu.memory_space<vmem>>
    %dma_start3A_5 = tpu.memref_squeeze %dma_start3A_4 : memref<1x128xi32, #tpu.memory_space<vmem>> -> memref<128xi32, #tpu.memory_space<vmem>>
    %dma_start3A_6 = arith.constant 0 : i32
    %dma_start3A_7 = arith.constant 0 : i32
    %dma_start3A_8 = tpu.memref_slice %arg3[%dma_start3A_6, %dma_start3A_7] : memref<100000x64xf32, #tpu.memory_space<hbm>> -> memref<100000x64xf32, #tpu.memory_space<hbm>>
    tpu.enqueue_indirect_dma source(%dma_start3A_8 : memref<100000x64xf32, #tpu.memory_space<hbm>>) target(%arg6 : memref<128x64xf32, #tpu.memory_space<vmem>>) offsets(%dma_start3A_5 : memref<128xi32, #tpu.memory_space<vmem>>) semaphore(%arg12 : memref<!tpu.dma_semaphore, #tpu.memory_space<semaphore_mem>>)
    %dma_start3A_9 = arith.constant 1 : i32
    %dma_start3A_10 = arith.constant 0 : i32
    %dma_start3A_11 = tpu.memref_slice %arg5[%dma_start3A_9, %dma_start3A_10] : memref<50x128xi32, #tpu.memory_space<vmem>> -> memref<1x128xi32, #tpu.memory_space<vmem>>
    %dma_start3A_12 = tpu.memref_squeeze %dma_start3A_11 : memref<1x128xi32, #tpu.memory_space<vmem>> -> memref<128xi32, #tpu.memory_space<vmem>>
    %dma_start3A_13 = arith.constant 0 : i32
    %dma_start3A_14 = arith.constant 0 : i32
    %dma_start3A_15 = tpu.memref_slice %arg3[%dma_start3A_13, %dma_start3A_14] : memref<100000x64xf32, #tpu.memory_space<hbm>> -> memref<100000x64xf32, #tpu.memory_space<hbm>>
    tpu.enqueue_indirect_dma source(%dma_start3A_15 : memref<100000x64xf32, #tpu.memory_space<hbm>>) target(%arg7 : memref<128x64xf32, #tpu.memory_space<vmem>>) offsets(%dma_start3A_12 : memref<128xi32, #tpu.memory_space<vmem>>) semaphore(%arg13 : memref<!tpu.dma_semaphore, #tpu.memory_space<semaphore_mem>>)
    %dma_start3A_16 = arith.constant 2 : i32
    %dma_start3A_17 = arith.constant 0 : i32
    %dma_start3A_18 = tpu.memref_slice %arg5[%dma_start3A_16, %dma_start3A_17] : memref<50x128xi32, #tpu.memory_space<vmem>> -> memref<1x128xi32, #tpu.memory_space<vmem>>
    %dma_start3A_19 = tpu.memref_squeeze %dma_start3A_18 : memref<1x128xi32, #tpu.memory_space<vmem>> -> memref<128xi32, #tpu.memory_space<vmem>>
    %dma_start3A_20 = arith.constant 0 : i32
    %dma_start3A_21 = arith.constant 0 : i32
    %dma_start3A_22 = tpu.memref_slice %arg3[%dma_start3A_20, %dma_start3A_21] : memref<100000x64xf32, #tpu.memory_space<hbm>> -> memref<100000x64xf32, #tpu.memory_space<hbm>>
    tpu.enqueue_indirect_dma source(%dma_start3A_22 : memref<100000x64xf32, #tpu.memory_space<hbm>>) target(%arg8 : memref<128x64xf32, #tpu.memory_space<vmem>>) offsets(%dma_start3A_19 : memref<128xi32, #tpu.memory_space<vmem>>) semaphore(%arg14 : memref<!tpu.dma_semaphore, #tpu.memory_space<semaphore_mem>>)
    %dma_start3A_23 = arith.constant 3 : i32
    %dma_start3A_24 = arith.constant 0 : i32
    %dma_start3A_25 = tpu.memref_slice %arg5[%dma_start3A_23, %dma_start3A_24] : memref<50x128xi32, #tpu.memory_space<vmem>> -> memref<1x128xi32, #tpu.memory_space<vmem>>
    %dma_start3A_26 = tpu.memref_squeeze %dma_start3A_25 : memref<1x128xi32, #tpu.memory_space<vmem>> -> memref<128xi32, #tpu.memory_space<vmem>>
    %dma_start3A_27 = arith.constant 0 : i32
    %dma_start3A_28 = arith.constant 0 : i32
    %dma_start3A_29 = tpu.memref_slice %arg3[%dma_start3A_27, %dma_start3A_28] : memref<100000x64xf32, #tpu.memory_space<hbm>> -> memref<100000x64xf32, #tpu.memory_space<hbm>>
    tpu.enqueue_indirect_dma source(%dma_start3A_29 : memref<100000x64xf32, #tpu.memory_space<hbm>>) target(%arg9 : memref<128x64xf32, #tpu.memory_space<vmem>>) offsets(%dma_start3A_26 : memref<128xi32, #tpu.memory_space<vmem>>) semaphore(%arg15 : memref<!tpu.dma_semaphore, #tpu.memory_space<semaphore_mem>>)
    %dma_start3A_30 = arith.constant 4 : i32
    %dma_start3A_31 = arith.constant 0 : i32
    %dma_start3A_32 = tpu.memref_slice %arg5[%dma_start3A_30, %dma_start3A_31] : memref<50x128xi32, #tpu.memory_space<vmem>> -> memref<1x128xi32, #tpu.memory_space<vmem>>
    %dma_start3A_33 = tpu.memref_squeeze %dma_start3A_32 : memref<1x128xi32, #tpu.memory_space<vmem>> -> memref<128xi32, #tpu.memory_space<vmem>>
    %dma_start3A_34 = arith.constant 0 : i32
    %dma_start3A_35 = arith.constant 0 : i32
    %dma_start3A_36 = tpu.memref_slice %arg3[%dma_start3A_34, %dma_start3A_35] : memref<100000x64xf32, #tpu.memory_space<hbm>> -> memref<100000x64xf32, #tpu.memory_space<hbm>>
    tpu.enqueue_indirect_dma source(%dma_start3A_36 : memref<100000x64xf32, #tpu.memory_space<hbm>>) target(%arg10 : memref<128x64xf32, #tpu.memory_space<vmem>>) offsets(%dma_start3A_33 : memref<128xi32, #tpu.memory_space<vmem>>) semaphore(%arg16 : memref<!tpu.dma_semaphore, #tpu.memory_space<semaphore_mem>>)
    %scan3A = arith.constant 0 : i32
    %scan3A_37 = arith.constant 0 : i32
    %scan3A_38 = arith.constant 8 : i32
    %scan3A_39 = arith.addi %scan3A_37, %scan3A_38 : i32
    %scan3A_40 = arith.constant 1 : i32
    scf.for %scan3A_99 = %scan3A_37 to %scan3A_39 step %scan3A_40  : i32 {
      %mul3A_100 = arith.constant 6 : i32
      %mul3A_101 = arith.muli %scan3A_99, %mul3A_100 : i32
      %add3A_102 = arith.constant 0 : i32
      %add3A_103 = arith.addi %mul3A_101, %add3A_102 : i32
      %dma_wait3A_104 = arith.constant 0 : i32
      %dma_wait3A_105 = tpu.memref_slice %arg5[%add3A_103, %dma_wait3A_104] : memref<50x128xi32, #tpu.memory_space<vmem>> -> memref<1x128xi32, #tpu.memory_space<vmem>>
      %dma_wait3A_106 = tpu.memref_squeeze %dma_wait3A_105 : memref<1x128xi32, #tpu.memory_space<vmem>> -> memref<128xi32, #tpu.memory_space<vmem>>
      %dma_wait3A_107 = arith.constant 0 : i32
      %dma_wait3A_108 = arith.constant 0 : i32
      %dma_wait3A_109 = tpu.memref_slice %arg3[%dma_wait3A_107, %dma_wait3A_108] : memref<100000x64xf32, #tpu.memory_space<hbm>> -> memref<100000x64xf32, #tpu.memory_space<hbm>>
      tpu.wait_indirect_dma semaphore(%arg12 : memref<!tpu.dma_semaphore, #tpu.memory_space<semaphore_mem>>) src(%dma_wait3A_109 : memref<100000x64xf32, #tpu.memory_space<hbm>>) dst(%arg6 : memref<128x64xf32, #tpu.memory_space<vmem>>)
      %ge3A = arith.constant 1 : i32
      %ge3A_110 = arith.cmpi sge, %scan3A_99, %ge3A : i32
      %convert_element_type3A = arith.extui %ge3A_110 : i1 to i32
      %cond3A = arith.constant 0 : i32
      %cond3A_111 = arith.cmpi ne, %convert_element_type3A, %cond3A : i32
      scf.if %cond3A_111 {
        %sub3A_572 = arith.constant 1 : i32
        %sub3A_573 = arith.subi %add3A_103, %sub3A_572 : i32
        %rem3A_574 = arith.constant 25 : i32
        %rem3A_575 = arith.remsi %sub3A_573, %rem3A_574 : i32
        %jit3A_576 = arith.constant 25 : i32
        %div3A_577 = arith.divsi %sub3A_573, %jit3A_576 : i32
        %sign3A_578 = arith.constant 0 : i32
        %sign3A_579 = arith.cmpi sgt, %sub3A_573, %sign3A_578 : i32
        %sign3A_580 = arith.extui %sign3A_579 : i1 to i32
        %sign3A_581 = arith.constant 0 : i32
        %sign3A_582 = arith.cmpi slt, %sub3A_573, %sign3A_581 : i32
        %sign3A_583 = arith.extui %sign3A_582 : i1 to i32
        %sign3A_584 = arith.subi %sign3A_580, %sign3A_583 : i32
        %sign3A_585 = arith.constant 0 : i32
        %sign3A_586 = arith.cmpi sgt, %jit3A_576, %sign3A_585 : i32
        %sign3A_587 = arith.extui %sign3A_586 : i1 to i32
        %sign3A_588 = arith.constant 0 : i32
        %sign3A_589 = arith.cmpi slt, %jit3A_576, %sign3A_588 : i32
        %sign3A_590 = arith.extui %sign3A_589 : i1 to i32
        %sign3A_591 = arith.subi %sign3A_587, %sign3A_590 : i32
        %ne3A_592 = arith.cmpi ne, %sign3A_584, %sign3A_591 : i32
        %rem3A_593 = arith.remsi %sub3A_573, %jit3A_576 : i32
        %ne3A_594 = arith.constant 0 : i32
        %ne3A_595 = arith.cmpi ne, %rem3A_593, %ne3A_594 : i32
        %and3A_596 = arith.andi %ne3A_592, %ne3A_595 : i1
        %sub3A_597 = arith.constant 1 : i32
        %sub3A_598 = arith.subi %div3A_577, %sub3A_597 : i32
        %select_n3A_599 = arith.select %and3A_596, %sub3A_598, %div3A_577 : i32
        %mul3A_600 = arith.constant 64 : i32
        %mul3A_601 = arith.muli %select_n3A_599, %mul3A_600 : i32
        %multiple_of3A_602 = tpu.assume_multiple %mul3A_601, 64 : i32
        %dma_wait3A_603 = tpu.memref_slice %arg4[%rem3A_575, %multiple_of3A, %multiple_of3A_602] : memref<25x4096x128xf32, #tpu.memory_space<hbm>> -> memref<1x128x64xf32, #tpu.memory_space<hbm>>
        %dma_wait3A_604 = tpu.memref_squeeze %dma_wait3A_603 : memref<1x128x64xf32, #tpu.memory_space<hbm>> -> memref<128x64xf32, #tpu.memory_space<hbm>>
        %dma_wait3A_605 = tpu.memref_slice %arg4[%rem3A_575, %multiple_of3A, %multiple_of3A_602] : memref<25x4096x128xf32, #tpu.memory_space<hbm>> -> memref<1x128x64xf32, #tpu.memory_space<hbm>>
        %dma_wait3A_606 = tpu.memref_squeeze %dma_wait3A_605 : memref<1x128x64xf32, #tpu.memory_space<hbm>> -> memref<128x64xf32, #tpu.memory_space<hbm>>
        tpu.wait_dma2 semaphore(%arg23 : memref<!tpu.dma_semaphore, #tpu.memory_space<semaphore_mem>>) src(%arg11 : memref<128x64xf32, #tpu.memory_space<vmem>>) dst(%dma_wait3A_606 : memref<128x64xf32, #tpu.memory_space<hbm>>)
      } else {
      }
      %add3A_112 = arith.constant 6 : i32
      %add3A_113 = arith.addi %add3A_103, %add3A_112 : i32
      %sub3A = arith.constant 1 : i32
      %sub3A_114 = arith.subi %add3A_113, %sub3A : i32
      %dma_start3A_115 = arith.constant 0 : i32
      %dma_start3A_116 = tpu.memref_slice %arg5[%sub3A_114, %dma_start3A_115] : memref<50x128xi32, #tpu.memory_space<vmem>> -> memref<1x128xi32, #tpu.memory_space<vmem>>
      %dma_start3A_117 = tpu.memref_squeeze %dma_start3A_116 : memref<1x128xi32, #tpu.memory_space<vmem>> -> memref<128xi32, #tpu.memory_space<vmem>>
      %dma_start3A_118 = arith.constant 0 : i32
      %dma_start3A_119 = arith.constant 0 : i32
      %dma_start3A_120 = tpu.memref_slice %arg3[%dma_start3A_118, %dma_start3A_119] : memref<100000x64xf32, #tpu.memory_space<hbm>> -> memref<100000x64xf32, #tpu.memory_space<hbm>>
      tpu.enqueue_indirect_dma source(%dma_start3A_120 : memref<100000x64xf32, #tpu.memory_space<hbm>>) target(%arg11 : memref<128x64xf32, #tpu.memory_space<vmem>>) offsets(%dma_start3A_117 : memref<128xi32, #tpu.memory_space<vmem>>) semaphore(%arg17 : memref<!tpu.dma_semaphore, #tpu.memory_space<semaphore_mem>>)
      %rem3A_121 = arith.constant 25 : i32
      %rem3A_122 = arith.remsi %add3A_103, %rem3A_121 : i32
      %jit3A = arith.constant 25 : i32
      %div3A = arith.divsi %add3A_103, %jit3A : i32
      %sign3A = arith.constant 0 : i32
      %sign3A_123 = arith.cmpi sgt, %add3A_103, %sign3A : i32
      %sign3A_124 = arith.extui %sign3A_123 : i1 to i32
      %sign3A_125 = arith.constant 0 : i32
      %sign3A_126 = arith.cmpi slt, %add3A_103, %sign3A_125 : i32
      %sign3A_127 = arith.extui %sign3A_126 : i1 to i32
      %sign3A_128 = arith.subi %sign3A_124, %sign3A_127 : i32
      %sign3A_129 = arith.constant 0 : i32
      %sign3A_130 = arith.cmpi sgt, %jit3A, %sign3A_129 : i32
      %sign3A_131 = arith.extui %sign3A_130 : i1 to i32
      %sign3A_132 = arith.constant 0 : i32
      %sign3A_133 = arith.cmpi slt, %jit3A, %sign3A_132 : i32
      %sign3A_134 = arith.extui %sign3A_133 : i1 to i32
      %sign3A_135 = arith.subi %sign3A_131, %sign3A_134 : i32
      %ne3A = arith.cmpi ne, %sign3A_128, %sign3A_135 : i32
      %rem3A_136 = arith.remsi %add3A_103, %jit3A : i32
      %ne3A_137 = arith.constant 0 : i32
      %ne3A_138 = arith.cmpi ne, %rem3A_136, %ne3A_137 : i32
      %and3A = arith.andi %ne3A, %ne3A_138 : i1
      %sub3A_139 = arith.constant 1 : i32
      %sub3A_140 = arith.subi %div3A, %sub3A_139 : i32
      %select_n3A = arith.select %and3A, %sub3A_140, %div3A : i32
      %mul3A_141 = arith.constant 64 : i32
      %mul3A_142 = arith.muli %select_n3A, %mul3A_141 : i32
      %multiple_of3A_143 = tpu.assume_multiple %mul3A_142, 64 : i32
      %dma_start3A_144 = tpu.memref_slice %arg4[%rem3A_122, %multiple_of3A, %multiple_of3A_143] : memref<25x4096x128xf32, #tpu.memory_space<hbm>> -> memref<1x128x64xf32, #tpu.memory_space<hbm>>
      %dma_start3A_145 = tpu.memref_squeeze %dma_start3A_144 : memref<1x128x64xf32, #tpu.memory_space<hbm>> -> memref<128x64xf32, #tpu.memory_space<hbm>>
      %dma_start3A_146 = tpu.memref_slice %arg4[%rem3A_122, %multiple_of3A, %multiple_of3A_143] : memref<25x4096x128xf32, #tpu.memory_space<hbm>> -> memref<1x128x64xf32, #tpu.memory_space<hbm>>
      %dma_start3A_147 = tpu.memref_squeeze %dma_start3A_146 : memref<1x128x64xf32, #tpu.memory_space<hbm>> -> memref<128x64xf32, #tpu.memory_space<hbm>>
      tpu.enqueue_dma source(%arg6 : memref<128x64xf32, #tpu.memory_space<vmem>>) target(%dma_start3A_147 : memref<128x64xf32, #tpu.memory_space<hbm>>) target_semaphore(%arg18 : memref<!tpu.dma_semaphore, #tpu.memory_space<semaphore_mem>>)
      %mul3A_148 = arith.constant 6 : i32
      %mul3A_149 = arith.muli %scan3A_99, %mul3A_148 : i32
      %add3A_150 = arith.constant 1 : i32
      %add3A_151 = arith.addi %mul3A_149, %add3A_150 : i32
      %dma_wait3A_152 = arith.constant 0 : i32
      %dma_wait3A_153 = tpu.memref_slice %arg5[%add3A_151, %dma_wait3A_152] : memref<50x128xi32, #tpu.memory_space<vmem>> -> memref<1x128xi32, #tpu.memory_space<vmem>>
      %dma_wait3A_154 = tpu.memref_squeeze %dma_wait3A_153 : memref<1x128xi32, #tpu.memory_space<vmem>> -> memref<128xi32, #tpu.memory_space<vmem>>
      %dma_wait3A_155 = arith.constant 0 : i32
      %dma_wait3A_156 = arith.constant 0 : i32
      %dma_wait3A_157 = tpu.memref_slice %arg3[%dma_wait3A_155, %dma_wait3A_156] : memref<100000x64xf32, #tpu.memory_space<hbm>> -> memref<100000x64xf32, #tpu.memory_space<hbm>>
      tpu.wait_indirect_dma semaphore(%arg13 : memref<!tpu.dma_semaphore, #tpu.memory_space<semaphore_mem>>) src(%dma_wait3A_157 : memref<100000x64xf32, #tpu.memory_space<hbm>>) dst(%arg7 : memref<128x64xf32, #tpu.memory_space<vmem>>)
      %sub3A_158 = arith.constant 1 : i32
      %sub3A_159 = arith.subi %add3A_151, %sub3A_158 : i32
      %rem3A_160 = arith.constant 25 : i32
      %rem3A_161 = arith.remsi %sub3A_159, %rem3A_160 : i32
      %jit3A_162 = arith.constant 25 : i32
      %div3A_163 = arith.divsi %sub3A_159, %jit3A_162 : i32
      %sign3A_164 = arith.constant 0 : i32
      %sign3A_165 = arith.cmpi sgt, %sub3A_159, %sign3A_164 : i32
      %sign3A_166 = arith.extui %sign3A_165 : i1 to i32
      %sign3A_167 = arith.constant 0 : i32
      %sign3A_168 = arith.cmpi slt, %sub3A_159, %sign3A_167 : i32
      %sign3A_169 = arith.extui %sign3A_168 : i1 to i32
      %sign3A_170 = arith.subi %sign3A_166, %sign3A_169 : i32
      %sign3A_171 = arith.constant 0 : i32
      %sign3A_172 = arith.cmpi sgt, %jit3A_162, %sign3A_171 : i32
      %sign3A_173 = arith.extui %sign3A_172 : i1 to i32
      %sign3A_174 = arith.constant 0 : i32
      %sign3A_175 = arith.cmpi slt, %jit3A_162, %sign3A_174 : i32
      %sign3A_176 = arith.extui %sign3A_175 : i1 to i32
      %sign3A_177 = arith.subi %sign3A_173, %sign3A_176 : i32
      %ne3A_178 = arith.cmpi ne, %sign3A_170, %sign3A_177 : i32
      %rem3A_179 = arith.remsi %sub3A_159, %jit3A_162 : i32
      %ne3A_180 = arith.constant 0 : i32
      %ne3A_181 = arith.cmpi ne, %rem3A_179, %ne3A_180 : i32
      %and3A_182 = arith.andi %ne3A_178, %ne3A_181 : i1
      %sub3A_183 = arith.constant 1 : i32
      %sub3A_184 = arith.subi %div3A_163, %sub3A_183 : i32
      %select_n3A_185 = arith.select %and3A_182, %sub3A_184, %div3A_163 : i32
      %mul3A_186 = arith.constant 64 : i32
      %mul3A_187 = arith.muli %select_n3A_185, %mul3A_186 : i32
      %multiple_of3A_188 = tpu.assume_multiple %mul3A_187, 64 : i32
      %dma_wait3A_189 = tpu.memref_slice %arg4[%rem3A_161, %multiple_of3A, %multiple_of3A_188] : memref<25x4096x128xf32, #tpu.memory_space<hbm>> -> memref<1x128x64xf32, #tpu.memory_space<hbm>>
      %dma_wait3A_190 = tpu.memref_squeeze %dma_wait3A_189 : memref<1x128x64xf32, #tpu.memory_space<hbm>> -> memref<128x64xf32, #tpu.memory_space<hbm>>
      %dma_wait3A_191 = tpu.memref_slice %arg4[%rem3A_161, %multiple_of3A, %multiple_of3A_188] : memref<25x4096x128xf32, #tpu.memory_space<hbm>> -> memref<1x128x64xf32, #tpu.memory_space<hbm>>
      %dma_wait3A_192 = tpu.memref_squeeze %dma_wait3A_191 : memref<1x128x64xf32, #tpu.memory_space<hbm>> -> memref<128x64xf32, #tpu.memory_space<hbm>>
      tpu.wait_dma2 semaphore(%arg18 : memref<!tpu.dma_semaphore, #tpu.memory_space<semaphore_mem>>) src(%arg6 : memref<128x64xf32, #tpu.memory_space<vmem>>) dst(%dma_wait3A_192 : memref<128x64xf32, #tpu.memory_space<hbm>>)
      %add3A_193 = arith.constant 6 : i32
      %add3A_194 = arith.addi %add3A_151, %add3A_193 : i32
      %sub3A_195 = arith.constant 1 : i32
      %sub3A_196 = arith.subi %add3A_194, %sub3A_195 : i32
      %dma_start3A_197 = arith.constant 0 : i32
      %dma_start3A_198 = tpu.memref_slice %arg5[%sub3A_196, %dma_start3A_197] : memref<50x128xi32, #tpu.memory_space<vmem>> -> memref<1x128xi32, #tpu.memory_space<vmem>>
      %dma_start3A_199 = tpu.memref_squeeze %dma_start3A_198 : memref<1x128xi32, #tpu.memory_space<vmem>> -> memref<128xi32, #tpu.memory_space<vmem>>
      %dma_start3A_200 = arith.constant 0 : i32
      %dma_start3A_201 = arith.constant 0 : i32
      %dma_start3A_202 = tpu.memref_slice %arg3[%dma_start3A_200, %dma_start3A_201] : memref<100000x64xf32, #tpu.memory_space<hbm>> -> memref<100000x64xf32, #tpu.memory_space<hbm>>
      tpu.enqueue_indirect_dma source(%dma_start3A_202 : memref<100000x64xf32, #tpu.memory_space<hbm>>) target(%arg6 : memref<128x64xf32, #tpu.memory_space<vmem>>) offsets(%dma_start3A_199 : memref<128xi32, #tpu.memory_space<vmem>>) semaphore(%arg12 : memref<!tpu.dma_semaphore, #tpu.memory_space<semaphore_mem>>)
      %rem3A_203 = arith.constant 25 : i32
      %rem3A_204 = arith.remsi %add3A_151, %rem3A_203 : i32
      %jit3A_205 = arith.constant 25 : i32
      %div3A_206 = arith.divsi %add3A_151, %jit3A_205 : i32
      %sign3A_207 = arith.constant 0 : i32
      %sign3A_208 = arith.cmpi sgt, %add3A_151, %sign3A_207 : i32
      %sign3A_209 = arith.extui %sign3A_208 : i1 to i32
      %sign3A_210 = arith.constant 0 : i32
      %sign3A_211 = arith.cmpi slt, %add3A_151, %sign3A_210 : i32
      %sign3A_212 = arith.extui %sign3A_211 : i1 to i32
      %sign3A_213 = arith.subi %sign3A_209, %sign3A_212 : i32
      %sign3A_214 = arith.constant 0 : i32
      %sign3A_215 = arith.cmpi sgt, %jit3A_205, %sign3A_214 : i32
      %sign3A_216 = arith.extui %sign3A_215 : i1 to i32
      %sign3A_217 = arith.constant 0 : i32
      %sign3A_218 = arith.cmpi slt, %jit3A_205, %sign3A_217 : i32
      %sign3A_219 = arith.extui %sign3A_218 : i1 to i32
      %sign3A_220 = arith.subi %sign3A_216, %sign3A_219 : i32
      %ne3A_221 = arith.cmpi ne, %sign3A_213, %sign3A_220 : i32
      %rem3A_222 = arith.remsi %add3A_151, %jit3A_205 : i32
      %ne3A_223 = arith.constant 0 : i32
      %ne3A_224 = arith.cmpi ne, %rem3A_222, %ne3A_223 : i32
      %and3A_225 = arith.andi %ne3A_221, %ne3A_224 : i1
      %sub3A_226 = arith.constant 1 : i32
      %sub3A_227 = arith.subi %div3A_206, %sub3A_226 : i32
      %select_n3A_228 = arith.select %and3A_225, %sub3A_227, %div3A_206 : i32
      %mul3A_229 = arith.constant 64 : i32
      %mul3A_230 = arith.muli %select_n3A_228, %mul3A_229 : i32
      %multiple_of3A_231 = tpu.assume_multiple %mul3A_230, 64 : i32
      %dma_start3A_232 = tpu.memref_slice %arg4[%rem3A_204, %multiple_of3A, %multiple_of3A_231] : memref<25x4096x128xf32, #tpu.memory_space<hbm>> -> memref<1x128x64xf32, #tpu.memory_space<hbm>>
      %dma_start3A_233 = tpu.memref_squeeze %dma_start3A_232 : memref<1x128x64xf32, #tpu.memory_space<hbm>> -> memref<128x64xf32, #tpu.memory_space<hbm>>
      %dma_start3A_234 = tpu.memref_slice %arg4[%rem3A_204, %multiple_of3A, %multiple_of3A_231] : memref<25x4096x128xf32, #tpu.memory_space<hbm>> -> memref<1x128x64xf32, #tpu.memory_space<hbm>>
      %dma_start3A_235 = tpu.memref_squeeze %dma_start3A_234 : memref<1x128x64xf32, #tpu.memory_space<hbm>> -> memref<128x64xf32, #tpu.memory_space<hbm>>
      tpu.enqueue_dma source(%arg7 : memref<128x64xf32, #tpu.memory_space<vmem>>) target(%dma_start3A_235 : memref<128x64xf32, #tpu.memory_space<hbm>>) target_semaphore(%arg19 : memref<!tpu.dma_semaphore, #tpu.memory_space<semaphore_mem>>)
      %mul3A_236 = arith.constant 6 : i32
      %mul3A_237 = arith.muli %scan3A_99, %mul3A_236 : i32
      %add3A_238 = arith.constant 2 : i32
      %add3A_239 = arith.addi %mul3A_237, %add3A_238 : i32
      %dma_wait3A_240 = arith.constant 0 : i32
      %dma_wait3A_241 = tpu.memref_slice %arg5[%add3A_239, %dma_wait3A_240] : memref<50x128xi32, #tpu.memory_space<vmem>> -> memref<1x128xi32, #tpu.memory_space<vmem>>
      %dma_wait3A_242 = tpu.memref_squeeze %dma_wait3A_241 : memref<1x128xi32, #tpu.memory_space<vmem>> -> memref<128xi32, #tpu.memory_space<vmem>>
      %dma_wait3A_243 = arith.constant 0 : i32
      %dma_wait3A_244 = arith.constant 0 : i32
      %dma_wait3A_245 = tpu.memref_slice %arg3[%dma_wait3A_243, %dma_wait3A_244] : memref<100000x64xf32, #tpu.memory_space<hbm>> -> memref<100000x64xf32, #tpu.memory_space<hbm>>
      tpu.wait_indirect_dma semaphore(%arg14 : memref<!tpu.dma_semaphore, #tpu.memory_space<semaphore_mem>>) src(%dma_wait3A_245 : memref<100000x64xf32, #tpu.memory_space<hbm>>) dst(%arg8 : memref<128x64xf32, #tpu.memory_space<vmem>>)
      %sub3A_246 = arith.constant 1 : i32
      %sub3A_247 = arith.subi %add3A_239, %sub3A_246 : i32
      %rem3A_248 = arith.constant 25 : i32
      %rem3A_249 = arith.remsi %sub3A_247, %rem3A_248 : i32
      %jit3A_250 = arith.constant 25 : i32
      %div3A_251 = arith.divsi %sub3A_247, %jit3A_250 : i32
      %sign3A_252 = arith.constant 0 : i32
      %sign3A_253 = arith.cmpi sgt, %sub3A_247, %sign3A_252 : i32
      %sign3A_254 = arith.extui %sign3A_253 : i1 to i32
      %sign3A_255 = arith.constant 0 : i32
      %sign3A_256 = arith.cmpi slt, %sub3A_247, %sign3A_255 : i32
      %sign3A_257 = arith.extui %sign3A_256 : i1 to i32
      %sign3A_258 = arith.subi %sign3A_254, %sign3A_257 : i32
      %sign3A_259 = arith.constant 0 : i32
      %sign3A_260 = arith.cmpi sgt, %jit3A_250, %sign3A_259 : i32
      %sign3A_261 = arith.extui %sign3A_260 : i1 to i32
      %sign3A_262 = arith.constant 0 : i32
      %sign3A_263 = arith.cmpi slt, %jit3A_250, %sign3A_262 : i32
      %sign3A_264 = arith.extui %sign3A_263 : i1 to i32
      %sign3A_265 = arith.subi %sign3A_261, %sign3A_264 : i32
      %ne3A_266 = arith.cmpi ne, %sign3A_258, %sign3A_265 : i32
      %rem3A_267 = arith.remsi %sub3A_247, %jit3A_250 : i32
      %ne3A_268 = arith.constant 0 : i32
      %ne3A_269 = arith.cmpi ne, %rem3A_267, %ne3A_268 : i32
      %and3A_270 = arith.andi %ne3A_266, %ne3A_269 : i1
      %sub3A_271 = arith.constant 1 : i32
      %sub3A_272 = arith.subi %div3A_251, %sub3A_271 : i32
      %select_n3A_273 = arith.select %and3A_270, %sub3A_272, %div3A_251 : i32
      %mul3A_274 = arith.constant 64 : i32
      %mul3A_275 = arith.muli %select_n3A_273, %mul3A_274 : i32
      %multiple_of3A_276 = tpu.assume_multiple %mul3A_275, 64 : i32
      %dma_wait3A_277 = tpu.memref_slice %arg4[%rem3A_249, %multiple_of3A, %multiple_of3A_276] : memref<25x4096x128xf32, #tpu.memory_space<hbm>> -> memref<1x128x64xf32, #tpu.memory_space<hbm>>
      %dma_wait3A_278 = tpu.memref_squeeze %dma_wait3A_277 : memref<1x128x64xf32, #tpu.memory_space<hbm>> -> memref<128x64xf32, #tpu.memory_space<hbm>>
      %dma_wait3A_279 = tpu.memref_slice %arg4[%rem3A_249, %multiple_of3A, %multiple_of3A_276] : memref<25x4096x128xf32, #tpu.memory_space<hbm>> -> memref<1x128x64xf32, #tpu.memory_space<hbm>>
      %dma_wait3A_280 = tpu.memref_squeeze %dma_wait3A_279 : memref<1x128x64xf32, #tpu.memory_space<hbm>> -> memref<128x64xf32, #tpu.memory_space<hbm>>
      tpu.wait_dma2 semaphore(%arg19 : memref<!tpu.dma_semaphore, #tpu.memory_space<semaphore_mem>>) src(%arg7 : memref<128x64xf32, #tpu.memory_space<vmem>>) dst(%dma_wait3A_280 : memref<128x64xf32, #tpu.memory_space<hbm>>)
      %add3A_281 = arith.constant 6 : i32
      %add3A_282 = arith.addi %add3A_239, %add3A_281 : i32
      %sub3A_283 = arith.constant 1 : i32
      %sub3A_284 = arith.subi %add3A_282, %sub3A_283 : i32
      %dma_start3A_285 = arith.constant 0 : i32
      %dma_start3A_286 = tpu.memref_slice %arg5[%sub3A_284, %dma_start3A_285] : memref<50x128xi32, #tpu.memory_space<vmem>> -> memref<1x128xi32, #tpu.memory_space<vmem>>
      %dma_start3A_287 = tpu.memref_squeeze %dma_start3A_286 : memref<1x128xi32, #tpu.memory_space<vmem>> -> memref<128xi32, #tpu.memory_space<vmem>>
      %dma_start3A_288 = arith.constant 0 : i32
      %dma_start3A_289 = arith.constant 0 : i32
      %dma_start3A_290 = tpu.memref_slice %arg3[%dma_start3A_288, %dma_start3A_289] : memref<100000x64xf32, #tpu.memory_space<hbm>> -> memref<100000x64xf32, #tpu.memory_space<hbm>>
      tpu.enqueue_indirect_dma source(%dma_start3A_290 : memref<100000x64xf32, #tpu.memory_space<hbm>>) target(%arg7 : memref<128x64xf32, #tpu.memory_space<vmem>>) offsets(%dma_start3A_287 : memref<128xi32, #tpu.memory_space<vmem>>) semaphore(%arg13 : memref<!tpu.dma_semaphore, #tpu.memory_space<semaphore_mem>>)
      %rem3A_291 = arith.constant 25 : i32
      %rem3A_292 = arith.remsi %add3A_239, %rem3A_291 : i32
      %jit3A_293 = arith.constant 25 : i32
      %div3A_294 = arith.divsi %add3A_239, %jit3A_293 : i32
      %sign3A_295 = arith.constant 0 : i32
      %sign3A_296 = arith.cmpi sgt, %add3A_239, %sign3A_295 : i32
      %sign3A_297 = arith.extui %sign3A_296 : i1 to i32
      %sign3A_298 = arith.constant 0 : i32
      %sign3A_299 = arith.cmpi slt, %add3A_239, %sign3A_298 : i32
      %sign3A_300 = arith.extui %sign3A_299 : i1 to i32
      %sign3A_301 = arith.subi %sign3A_297, %sign3A_300 : i32
      %sign3A_302 = arith.constant 0 : i32
      %sign3A_303 = arith.cmpi sgt, %jit3A_293, %sign3A_302 : i32
      %sign3A_304 = arith.extui %sign3A_303 : i1 to i32
      %sign3A_305 = arith.constant 0 : i32
      %sign3A_306 = arith.cmpi slt, %jit3A_293, %sign3A_305 : i32
      %sign3A_307 = arith.extui %sign3A_306 : i1 to i32
      %sign3A_308 = arith.subi %sign3A_304, %sign3A_307 : i32
      %ne3A_309 = arith.cmpi ne, %sign3A_301, %sign3A_308 : i32
      %rem3A_310 = arith.remsi %add3A_239, %jit3A_293 : i32
      %ne3A_311 = arith.constant 0 : i32
      %ne3A_312 = arith.cmpi ne, %rem3A_310, %ne3A_311 : i32
      %and3A_313 = arith.andi %ne3A_309, %ne3A_312 : i1
      %sub3A_314 = arith.constant 1 : i32
      %sub3A_315 = arith.subi %div3A_294, %sub3A_314 : i32
      %select_n3A_316 = arith.select %and3A_313, %sub3A_315, %div3A_294 : i32
      %mul3A_317 = arith.constant 64 : i32
      %mul3A_318 = arith.muli %select_n3A_316, %mul3A_317 : i32
      %multiple_of3A_319 = tpu.assume_multiple %mul3A_318, 64 : i32
      %dma_start3A_320 = tpu.memref_slice %arg4[%rem3A_292, %multiple_of3A, %multiple_of3A_319] : memref<25x4096x128xf32, #tpu.memory_space<hbm>> -> memref<1x128x64xf32, #tpu.memory_space<hbm>>
      %dma_start3A_321 = tpu.memref_squeeze %dma_start3A_320 : memref<1x128x64xf32, #tpu.memory_space<hbm>> -> memref<128x64xf32, #tpu.memory_space<hbm>>
      %dma_start3A_322 = tpu.memref_slice %arg4[%rem3A_292, %multiple_of3A, %multiple_of3A_319] : memref<25x4096x128xf32, #tpu.memory_space<hbm>> -> memref<1x128x64xf32, #tpu.memory_space<hbm>>
      %dma_start3A_323 = tpu.memref_squeeze %dma_start3A_322 : memref<1x128x64xf32, #tpu.memory_space<hbm>> -> memref<128x64xf32, #tpu.memory_space<hbm>>
      tpu.enqueue_dma source(%arg8 : memref<128x64xf32, #tpu.memory_space<vmem>>) target(%dma_start3A_323 : memref<128x64xf32, #tpu.memory_space<hbm>>) target_semaphore(%arg20 : memref<!tpu.dma_semaphore, #tpu.memory_space<semaphore_mem>>)
      %mul3A_324 = arith.constant 6 : i32
      %mul3A_325 = arith.muli %scan3A_99, %mul3A_324 : i32
      %add3A_326 = arith.constant 3 : i32
      %add3A_327 = arith.addi %mul3A_325, %add3A_326 : i32
      %dma_wait3A_328 = arith.constant 0 : i32
      %dma_wait3A_329 = tpu.memref_slice %arg5[%add3A_327, %dma_wait3A_328] : memref<50x128xi32, #tpu.memory_space<vmem>> -> memref<1x128xi32, #tpu.memory_space<vmem>>
      %dma_wait3A_330 = tpu.memref_squeeze %dma_wait3A_329 : memref<1x128xi32, #tpu.memory_space<vmem>> -> memref<128xi32, #tpu.memory_space<vmem>>
      %dma_wait3A_331 = arith.constant 0 : i32
      %dma_wait3A_332 = arith.constant 0 : i32
      %dma_wait3A_333 = tpu.memref_slice %arg3[%dma_wait3A_331, %dma_wait3A_332] : memref<100000x64xf32, #tpu.memory_space<hbm>> -> memref<100000x64xf32, #tpu.memory_space<hbm>>
      tpu.wait_indirect_dma semaphore(%arg15 : memref<!tpu.dma_semaphore, #tpu.memory_space<semaphore_mem>>) src(%dma_wait3A_333 : memref<100000x64xf32, #tpu.memory_space<hbm>>) dst(%arg9 : memref<128x64xf32, #tpu.memory_space<vmem>>)
      %sub3A_334 = arith.constant 1 : i32
      %sub3A_335 = arith.subi %add3A_327, %sub3A_334 : i32
      %rem3A_336 = arith.constant 25 : i32
      %rem3A_337 = arith.remsi %sub3A_335, %rem3A_336 : i32
      %jit3A_338 = arith.constant 25 : i32
      %div3A_339 = arith.divsi %sub3A_335, %jit3A_338 : i32
      %sign3A_340 = arith.constant 0 : i32
      %sign3A_341 = arith.cmpi sgt, %sub3A_335, %sign3A_340 : i32
      %sign3A_342 = arith.extui %sign3A_341 : i1 to i32
      %sign3A_343 = arith.constant 0 : i32
      %sign3A_344 = arith.cmpi slt, %sub3A_335, %sign3A_343 : i32
      %sign3A_345 = arith.extui %sign3A_344 : i1 to i32
      %sign3A_346 = arith.subi %sign3A_342, %sign3A_345 : i32
      %sign3A_347 = arith.constant 0 : i32
      %sign3A_348 = arith.cmpi sgt, %jit3A_338, %sign3A_347 : i32
      %sign3A_349 = arith.extui %sign3A_348 : i1 to i32
      %sign3A_350 = arith.constant 0 : i32
      %sign3A_351 = arith.cmpi slt, %jit3A_338, %sign3A_350 : i32
      %sign3A_352 = arith.extui %sign3A_351 : i1 to i32
      %sign3A_353 = arith.subi %sign3A_349, %sign3A_352 : i32
      %ne3A_354 = arith.cmpi ne, %sign3A_346, %sign3A_353 : i32
      %rem3A_355 = arith.remsi %sub3A_335, %jit3A_338 : i32
      %ne3A_356 = arith.constant 0 : i32
      %ne3A_357 = arith.cmpi ne, %rem3A_355, %ne3A_356 : i32
      %and3A_358 = arith.andi %ne3A_354, %ne3A_357 : i1
      %sub3A_359 = arith.constant 1 : i32
      %sub3A_360 = arith.subi %div3A_339, %sub3A_359 : i32
      %select_n3A_361 = arith.select %and3A_358, %sub3A_360, %div3A_339 : i32
      %mul3A_362 = arith.constant 64 : i32
      %mul3A_363 = arith.muli %select_n3A_361, %mul3A_362 : i32
      %multiple_of3A_364 = tpu.assume_multiple %mul3A_363, 64 : i32
      %dma_wait3A_365 = tpu.memref_slice %arg4[%rem3A_337, %multiple_of3A, %multiple_of3A_364] : memref<25x4096x128xf32, #tpu.memory_space<hbm>> -> memref<1x128x64xf32, #tpu.memory_space<hbm>>
      %dma_wait3A_366 = tpu.memref_squeeze %dma_wait3A_365 : memref<1x128x64xf32, #tpu.memory_space<hbm>> -> memref<128x64xf32, #tpu.memory_space<hbm>>
      %dma_wait3A_367 = tpu.memref_slice %arg4[%rem3A_337, %multiple_of3A, %multiple_of3A_364] : memref<25x4096x128xf32, #tpu.memory_space<hbm>> -> memref<1x128x64xf32, #tpu.memory_space<hbm>>
      %dma_wait3A_368 = tpu.memref_squeeze %dma_wait3A_367 : memref<1x128x64xf32, #tpu.memory_space<hbm>> -> memref<128x64xf32, #tpu.memory_space<hbm>>
      tpu.wait_dma2 semaphore(%arg20 : memref<!tpu.dma_semaphore, #tpu.memory_space<semaphore_mem>>) src(%arg8 : memref<128x64xf32, #tpu.memory_space<vmem>>) dst(%dma_wait3A_368 : memref<128x64xf32, #tpu.memory_space<hbm>>)
      %lt3A = arith.constant 7 : i32
      %lt3A_369 = arith.cmpi slt, %scan3A_99, %lt3A : i32
      %convert_element_type3A_370 = arith.extui %lt3A_369 : i1 to i32
      %cond3A_371 = arith.constant 0 : i32
      %cond3A_372 = arith.cmpi ne, %convert_element_type3A_370, %cond3A_371 : i32
      scf.if %cond3A_372 {
        %add3A_572 = arith.constant 6 : i32
        %add3A_573 = arith.addi %add3A_327, %add3A_572 : i32
        %sub3A_574 = arith.constant 1 : i32
        %sub3A_575 = arith.subi %add3A_573, %sub3A_574 : i32
        %dma_start3A_576 = arith.constant 0 : i32
        %dma_start3A_577 = tpu.memref_slice %arg5[%sub3A_575, %dma_start3A_576] : memref<50x128xi32, #tpu.memory_space<vmem>> -> memref<1x128xi32, #tpu.memory_space<vmem>>
        %dma_start3A_578 = tpu.memref_squeeze %dma_start3A_577 : memref<1x128xi32, #tpu.memory_space<vmem>> -> memref<128xi32, #tpu.memory_space<vmem>>
        %dma_start3A_579 = arith.constant 0 : i32
        %dma_start3A_580 = arith.constant 0 : i32
        %dma_start3A_581 = tpu.memref_slice %arg3[%dma_start3A_579, %dma_start3A_580] : memref<100000x64xf32, #tpu.memory_space<hbm>> -> memref<100000x64xf32, #tpu.memory_space<hbm>>
        tpu.enqueue_indirect_dma source(%dma_start3A_581 : memref<100000x64xf32, #tpu.memory_space<hbm>>) target(%arg8 : memref<128x64xf32, #tpu.memory_space<vmem>>) offsets(%dma_start3A_578 : memref<128xi32, #tpu.memory_space<vmem>>) semaphore(%arg14 : memref<!tpu.dma_semaphore, #tpu.memory_space<semaphore_mem>>)
      } else {
      }
      %rem3A_373 = arith.constant 25 : i32
      %rem3A_374 = arith.remsi %add3A_327, %rem3A_373 : i32
      %jit3A_375 = arith.constant 25 : i32
      %div3A_376 = arith.divsi %add3A_327, %jit3A_375 : i32
      %sign3A_377 = arith.constant 0 : i32
      %sign3A_378 = arith.cmpi sgt, %add3A_327, %sign3A_377 : i32
      %sign3A_379 = arith.extui %sign3A_378 : i1 to i32
      %sign3A_380 = arith.constant 0 : i32
      %sign3A_381 = arith.cmpi slt, %add3A_327, %sign3A_380 : i32
      %sign3A_382 = arith.extui %sign3A_381 : i1 to i32
      %sign3A_383 = arith.subi %sign3A_379, %sign3A_382 : i32
      %sign3A_384 = arith.constant 0 : i32
      %sign3A_385 = arith.cmpi sgt, %jit3A_375, %sign3A_384 : i32
      %sign3A_386 = arith.extui %sign3A_385 : i1 to i32
      %sign3A_387 = arith.constant 0 : i32
      %sign3A_388 = arith.cmpi slt, %jit3A_375, %sign3A_387 : i32
      %sign3A_389 = arith.extui %sign3A_388 : i1 to i32
      %sign3A_390 = arith.subi %sign3A_386, %sign3A_389 : i32
      %ne3A_391 = arith.cmpi ne, %sign3A_383, %sign3A_390 : i32
      %rem3A_392 = arith.remsi %add3A_327, %jit3A_375 : i32
      %ne3A_393 = arith.constant 0 : i32
      %ne3A_394 = arith.cmpi ne, %rem3A_392, %ne3A_393 : i32
      %and3A_395 = arith.andi %ne3A_391, %ne3A_394 : i1
      %sub3A_396 = arith.constant 1 : i32
      %sub3A_397 = arith.subi %div3A_376, %sub3A_396 : i32
      %select_n3A_398 = arith.select %and3A_395, %sub3A_397, %div3A_376 : i32
      %mul3A_399 = arith.constant 64 : i32
      %mul3A_400 = arith.muli %select_n3A_398, %mul3A_399 : i32
      %multiple_of3A_401 = tpu.assume_multiple %mul3A_400, 64 : i32
      %dma_start3A_402 = tpu.memref_slice %arg4[%rem3A_374, %multiple_of3A, %multiple_of3A_401] : memref<25x4096x128xf32, #tpu.memory_space<hbm>> -> memref<1x128x64xf32, #tpu.memory_space<hbm>>
      %dma_start3A_403 = tpu.memref_squeeze %dma_start3A_402 : memref<1x128x64xf32, #tpu.memory_space<hbm>> -> memref<128x64xf32, #tpu.memory_space<hbm>>
      %dma_start3A_404 = tpu.memref_slice %arg4[%rem3A_374, %multiple_of3A, %multiple_of3A_401] : memref<25x4096x128xf32, #tpu.memory_space<hbm>> -> memref<1x128x64xf32, #tpu.memory_space<hbm>>
      %dma_start3A_405 = tpu.memref_squeeze %dma_start3A_404 : memref<1x128x64xf32, #tpu.memory_space<hbm>> -> memref<128x64xf32, #tpu.memory_space<hbm>>
      tpu.enqueue_dma source(%arg9 : memref<128x64xf32, #tpu.memory_space<vmem>>) target(%dma_start3A_405 : memref<128x64xf32, #tpu.memory_space<hbm>>) target_semaphore(%arg21 : memref<!tpu.dma_semaphore, #tpu.memory_space<semaphore_mem>>)
      %mul3A_406 = arith.constant 6 : i32
      %mul3A_407 = arith.muli %scan3A_99, %mul3A_406 : i32
      %add3A_408 = arith.constant 4 : i32
      %add3A_409 = arith.addi %mul3A_407, %add3A_408 : i32
      %dma_wait3A_410 = arith.constant 0 : i32
      %dma_wait3A_411 = tpu.memref_slice %arg5[%add3A_409, %dma_wait3A_410] : memref<50x128xi32, #tpu.memory_space<vmem>> -> memref<1x128xi32, #tpu.memory_space<vmem>>
      %dma_wait3A_412 = tpu.memref_squeeze %dma_wait3A_411 : memref<1x128xi32, #tpu.memory_space<vmem>> -> memref<128xi32, #tpu.memory_space<vmem>>
      %dma_wait3A_413 = arith.constant 0 : i32
      %dma_wait3A_414 = arith.constant 0 : i32
      %dma_wait3A_415 = tpu.memref_slice %arg3[%dma_wait3A_413, %dma_wait3A_414] : memref<100000x64xf32, #tpu.memory_space<hbm>> -> memref<100000x64xf32, #tpu.memory_space<hbm>>
      tpu.wait_indirect_dma semaphore(%arg16 : memref<!tpu.dma_semaphore, #tpu.memory_space<semaphore_mem>>) src(%dma_wait3A_415 : memref<100000x64xf32, #tpu.memory_space<hbm>>) dst(%arg10 : memref<128x64xf32, #tpu.memory_space<vmem>>)
      %sub3A_416 = arith.constant 1 : i32
      %sub3A_417 = arith.subi %add3A_409, %sub3A_416 : i32
      %rem3A_418 = arith.constant 25 : i32
      %rem3A_419 = arith.remsi %sub3A_417, %rem3A_418 : i32
      %jit3A_420 = arith.constant 25 : i32
      %div3A_421 = arith.divsi %sub3A_417, %jit3A_420 : i32
      %sign3A_422 = arith.constant 0 : i32
      %sign3A_423 = arith.cmpi sgt, %sub3A_417, %sign3A_422 : i32
      %sign3A_424 = arith.extui %sign3A_423 : i1 to i32
      %sign3A_425 = arith.constant 0 : i32
      %sign3A_426 = arith.cmpi slt, %sub3A_417, %sign3A_425 : i32
      %sign3A_427 = arith.extui %sign3A_426 : i1 to i32
      %sign3A_428 = arith.subi %sign3A_424, %sign3A_427 : i32
      %sign3A_429 = arith.constant 0 : i32
      %sign3A_430 = arith.cmpi sgt, %jit3A_420, %sign3A_429 : i32
      %sign3A_431 = arith.extui %sign3A_430 : i1 to i32
      %sign3A_432 = arith.constant 0 : i32
      %sign3A_433 = arith.cmpi slt, %jit3A_420, %sign3A_432 : i32
      %sign3A_434 = arith.extui %sign3A_433 : i1 to i32
      %sign3A_435 = arith.subi %sign3A_431, %sign3A_434 : i32
      %ne3A_436 = arith.cmpi ne, %sign3A_428, %sign3A_435 : i32
      %rem3A_437 = arith.remsi %sub3A_417, %jit3A_420 : i32
      %ne3A_438 = arith.constant 0 : i32
      %ne3A_439 = arith.cmpi ne, %rem3A_437, %ne3A_438 : i32
      %and3A_440 = arith.andi %ne3A_436, %ne3A_439 : i1
      %sub3A_441 = arith.constant 1 : i32
      %sub3A_442 = arith.subi %div3A_421, %sub3A_441 : i32
      %select_n3A_443 = arith.select %and3A_440, %sub3A_442, %div3A_421 : i32
      %mul3A_444 = arith.constant 64 : i32
      %mul3A_445 = arith.muli %select_n3A_443, %mul3A_444 : i32
      %multiple_of3A_446 = tpu.assume_multiple %mul3A_445, 64 : i32
      %dma_wait3A_447 = tpu.memref_slice %arg4[%rem3A_419, %multiple_of3A, %multiple_of3A_446] : memref<25x4096x128xf32, #tpu.memory_space<hbm>> -> memref<1x128x64xf32, #tpu.memory_space<hbm>>
      %dma_wait3A_448 = tpu.memref_squeeze %dma_wait3A_447 : memref<1x128x64xf32, #tpu.memory_space<hbm>> -> memref<128x64xf32, #tpu.memory_space<hbm>>
      %dma_wait3A_449 = tpu.memref_slice %arg4[%rem3A_419, %multiple_of3A, %multiple_of3A_446] : memref<25x4096x128xf32, #tpu.memory_space<hbm>> -> memref<1x128x64xf32, #tpu.memory_space<hbm>>
      %dma_wait3A_450 = tpu.memref_squeeze %dma_wait3A_449 : memref<1x128x64xf32, #tpu.memory_space<hbm>> -> memref<128x64xf32, #tpu.memory_space<hbm>>
      tpu.wait_dma2 semaphore(%arg21 : memref<!tpu.dma_semaphore, #tpu.memory_space<semaphore_mem>>) src(%arg9 : memref<128x64xf32, #tpu.memory_space<vmem>>) dst(%dma_wait3A_450 : memref<128x64xf32, #tpu.memory_space<hbm>>)
      %lt3A_451 = arith.constant 7 : i32
      %lt3A_452 = arith.cmpi slt, %scan3A_99, %lt3A_451 : i32
      %convert_element_type3A_453 = arith.extui %lt3A_452 : i1 to i32
      %cond3A_454 = arith.constant 0 : i32
      %cond3A_455 = arith.cmpi ne, %convert_element_type3A_453, %cond3A_454 : i32
      scf.if %cond3A_455 {
        %add3A_572 = arith.constant 6 : i32
        %add3A_573 = arith.addi %add3A_409, %add3A_572 : i32
        %sub3A_574 = arith.constant 1 : i32
        %sub3A_575 = arith.subi %add3A_573, %sub3A_574 : i32
        %dma_start3A_576 = arith.constant 0 : i32
        %dma_start3A_577 = tpu.memref_slice %arg5[%sub3A_575, %dma_start3A_576] : memref<50x128xi32, #tpu.memory_space<vmem>> -> memref<1x128xi32, #tpu.memory_space<vmem>>
        %dma_start3A_578 = tpu.memref_squeeze %dma_start3A_577 : memref<1x128xi32, #tpu.memory_space<vmem>> -> memref<128xi32, #tpu.memory_space<vmem>>
        %dma_start3A_579 = arith.constant 0 : i32
        %dma_start3A_580 = arith.constant 0 : i32
        %dma_start3A_581 = tpu.memref_slice %arg3[%dma_start3A_579, %dma_start3A_580] : memref<100000x64xf32, #tpu.memory_space<hbm>> -> memref<100000x64xf32, #tpu.memory_space<hbm>>
        tpu.enqueue_indirect_dma source(%dma_start3A_581 : memref<100000x64xf32, #tpu.memory_space<hbm>>) target(%arg9 : memref<128x64xf32, #tpu.memory_space<vmem>>) offsets(%dma_start3A_578 : memref<128xi32, #tpu.memory_space<vmem>>) semaphore(%arg15 : memref<!tpu.dma_semaphore, #tpu.memory_space<semaphore_mem>>)
      } else {
      }
      %rem3A_456 = arith.constant 25 : i32
      %rem3A_457 = arith.remsi %add3A_409, %rem3A_456 : i32
      %jit3A_458 = arith.constant 25 : i32
      %div3A_459 = arith.divsi %add3A_409, %jit3A_458 : i32
      %sign3A_460 = arith.constant 0 : i32
      %sign3A_461 = arith.cmpi sgt, %add3A_409, %sign3A_460 : i32
      %sign3A_462 = arith.extui %sign3A_461 : i1 to i32
      %sign3A_463 = arith.constant 0 : i32
      %sign3A_464 = arith.cmpi slt, %add3A_409, %sign3A_463 : i32
      %sign3A_465 = arith.extui %sign3A_464 : i1 to i32
      %sign3A_466 = arith.subi %sign3A_462, %sign3A_465 : i32
      %sign3A_467 = arith.constant 0 : i32
      %sign3A_468 = arith.cmpi sgt, %jit3A_458, %sign3A_467 : i32
      %sign3A_469 = arith.extui %sign3A_468 : i1 to i32
      %sign3A_470 = arith.constant 0 : i32
      %sign3A_471 = arith.cmpi slt, %jit3A_458, %sign3A_470 : i32
      %sign3A_472 = arith.extui %sign3A_471 : i1 to i32
      %sign3A_473 = arith.subi %sign3A_469, %sign3A_472 : i32
      %ne3A_474 = arith.cmpi ne, %sign3A_466, %sign3A_473 : i32
      %rem3A_475 = arith.remsi %add3A_409, %jit3A_458 : i32
      %ne3A_476 = arith.constant 0 : i32
      %ne3A_477 = arith.cmpi ne, %rem3A_475, %ne3A_476 : i32
      %and3A_478 = arith.andi %ne3A_474, %ne3A_477 : i1
      %sub3A_479 = arith.constant 1 : i32
      %sub3A_480 = arith.subi %div3A_459, %sub3A_479 : i32
      %select_n3A_481 = arith.select %and3A_478, %sub3A_480, %div3A_459 : i32
      %mul3A_482 = arith.constant 64 : i32
      %mul3A_483 = arith.muli %select_n3A_481, %mul3A_482 : i32
      %multiple_of3A_484 = tpu.assume_multiple %mul3A_483, 64 : i32
      %dma_start3A_485 = tpu.memref_slice %arg4[%rem3A_457, %multiple_of3A, %multiple_of3A_484] : memref<25x4096x128xf32, #tpu.memory_space<hbm>> -> memref<1x128x64xf32, #tpu.memory_space<hbm>>
      %dma_start3A_486 = tpu.memref_squeeze %dma_start3A_485 : memref<1x128x64xf32, #tpu.memory_space<hbm>> -> memref<128x64xf32, #tpu.memory_space<hbm>>
      %dma_start3A_487 = tpu.memref_slice %arg4[%rem3A_457, %multiple_of3A, %multiple_of3A_484] : memref<25x4096x128xf32, #tpu.memory_space<hbm>> -> memref<1x128x64xf32, #tpu.memory_space<hbm>>
      %dma_start3A_488 = tpu.memref_squeeze %dma_start3A_487 : memref<1x128x64xf32, #tpu.memory_space<hbm>> -> memref<128x64xf32, #tpu.memory_space<hbm>>
      tpu.enqueue_dma source(%arg10 : memref<128x64xf32, #tpu.memory_space<vmem>>) target(%dma_start3A_488 : memref<128x64xf32, #tpu.memory_space<hbm>>) target_semaphore(%arg22 : memref<!tpu.dma_semaphore, #tpu.memory_space<semaphore_mem>>)
      %mul3A_489 = arith.constant 6 : i32
      %mul3A_490 = arith.muli %scan3A_99, %mul3A_489 : i32
      %add3A_491 = arith.constant 5 : i32
      %add3A_492 = arith.addi %mul3A_490, %add3A_491 : i32
      %dma_wait3A_493 = arith.constant 0 : i32
      %dma_wait3A_494 = tpu.memref_slice %arg5[%add3A_492, %dma_wait3A_493] : memref<50x128xi32, #tpu.memory_space<vmem>> -> memref<1x128xi32, #tpu.memory_space<vmem>>
      %dma_wait3A_495 = tpu.memref_squeeze %dma_wait3A_494 : memref<1x128xi32, #tpu.memory_space<vmem>> -> memref<128xi32, #tpu.memory_space<vmem>>
      %dma_wait3A_496 = arith.constant 0 : i32
      %dma_wait3A_497 = arith.constant 0 : i32
      %dma_wait3A_498 = tpu.memref_slice %arg3[%dma_wait3A_496, %dma_wait3A_497] : memref<100000x64xf32, #tpu.memory_space<hbm>> -> memref<100000x64xf32, #tpu.memory_space<hbm>>
      tpu.wait_indirect_dma semaphore(%arg17 : memref<!tpu.dma_semaphore, #tpu.memory_space<semaphore_mem>>) src(%dma_wait3A_498 : memref<100000x64xf32, #tpu.memory_space<hbm>>) dst(%arg11 : memref<128x64xf32, #tpu.memory_space<vmem>>)
      %sub3A_499 = arith.constant 1 : i32
      %sub3A_500 = arith.subi %add3A_492, %sub3A_499 : i32
      %rem3A_501 = arith.constant 25 : i32
      %rem3A_502 = arith.remsi %sub3A_500, %rem3A_501 : i32
      %jit3A_503 = arith.constant 25 : i32
      %div3A_504 = arith.divsi %sub3A_500, %jit3A_503 : i32
      %sign3A_505 = arith.constant 0 : i32
      %sign3A_506 = arith.cmpi sgt, %sub3A_500, %sign3A_505 : i32
      %sign3A_507 = arith.extui %sign3A_506 : i1 to i32
      %sign3A_508 = arith.constant 0 : i32
      %sign3A_509 = arith.cmpi slt, %sub3A_500, %sign3A_508 : i32
      %sign3A_510 = arith.extui %sign3A_509 : i1 to i32
      %sign3A_511 = arith.subi %sign3A_507, %sign3A_510 : i32
      %sign3A_512 = arith.constant 0 : i32
      %sign3A_513 = arith.cmpi sgt, %jit3A_503, %sign3A_512 : i32
      %sign3A_514 = arith.extui %sign3A_513 : i1 to i32
      %sign3A_515 = arith.constant 0 : i32
      %sign3A_516 = arith.cmpi slt, %jit3A_503, %sign3A_515 : i32
      %sign3A_517 = arith.extui %sign3A_516 : i1 to i32
      %sign3A_518 = arith.subi %sign3A_514, %sign3A_517 : i32
      %ne3A_519 = arith.cmpi ne, %sign3A_511, %sign3A_518 : i32
      %rem3A_520 = arith.remsi %sub3A_500, %jit3A_503 : i32
      %ne3A_521 = arith.constant 0 : i32
      %ne3A_522 = arith.cmpi ne, %rem3A_520, %ne3A_521 : i32
      %and3A_523 = arith.andi %ne3A_519, %ne3A_522 : i1
      %sub3A_524 = arith.constant 1 : i32
      %sub3A_525 = arith.subi %div3A_504, %sub3A_524 : i32
      %select_n3A_526 = arith.select %and3A_523, %sub3A_525, %div3A_504 : i32
      %mul3A_527 = arith.constant 64 : i32
      %mul3A_528 = arith.muli %select_n3A_526, %mul3A_527 : i32
      %multiple_of3A_529 = tpu.assume_multiple %mul3A_528, 64 : i32
      %dma_wait3A_530 = tpu.memref_slice %arg4[%rem3A_502, %multiple_of3A, %multiple_of3A_529] : memref<25x4096x128xf32, #tpu.memory_space<hbm>> -> memref<1x128x64xf32, #tpu.memory_space<hbm>>
      %dma_wait3A_531 = tpu.memref_squeeze %dma_wait3A_530 : memref<1x128x64xf32, #tpu.memory_space<hbm>> -> memref<128x64xf32, #tpu.memory_space<hbm>>
      %dma_wait3A_532 = tpu.memref_slice %arg4[%rem3A_502, %multiple_of3A, %multiple_of3A_529] : memref<25x4096x128xf32, #tpu.memory_space<hbm>> -> memref<1x128x64xf32, #tpu.memory_space<hbm>>
      %dma_wait3A_533 = tpu.memref_squeeze %dma_wait3A_532 : memref<1x128x64xf32, #tpu.memory_space<hbm>> -> memref<128x64xf32, #tpu.memory_space<hbm>>
      tpu.wait_dma2 semaphore(%arg22 : memref<!tpu.dma_semaphore, #tpu.memory_space<semaphore_mem>>) src(%arg10 : memref<128x64xf32, #tpu.memory_space<vmem>>) dst(%dma_wait3A_533 : memref<128x64xf32, #tpu.memory_space<hbm>>)
      %lt3A_534 = arith.constant 7 : i32
      %lt3A_535 = arith.cmpi slt, %scan3A_99, %lt3A_534 : i32
      %convert_element_type3A_536 = arith.extui %lt3A_535 : i1 to i32
      %cond3A_537 = arith.constant 0 : i32
      %cond3A_538 = arith.cmpi ne, %convert_element_type3A_536, %cond3A_537 : i32
      scf.if %cond3A_538 {
        %add3A_572 = arith.constant 6 : i32
        %add3A_573 = arith.addi %add3A_492, %add3A_572 : i32
        %sub3A_574 = arith.constant 1 : i32
        %sub3A_575 = arith.subi %add3A_573, %sub3A_574 : i32
        %dma_start3A_576 = arith.constant 0 : i32
        %dma_start3A_577 = tpu.memref_slice %arg5[%sub3A_575, %dma_start3A_576] : memref<50x128xi32, #tpu.memory_space<vmem>> -> memref<1x128xi32, #tpu.memory_space<vmem>>
        %dma_start3A_578 = tpu.memref_squeeze %dma_start3A_577 : memref<1x128xi32, #tpu.memory_space<vmem>> -> memref<128xi32, #tpu.memory_space<vmem>>
        %dma_start3A_579 = arith.constant 0 : i32
        %dma_start3A_580 = arith.constant 0 : i32
        %dma_start3A_581 = tpu.memref_slice %arg3[%dma_start3A_579, %dma_start3A_580] : memref<100000x64xf32, #tpu.memory_space<hbm>> -> memref<100000x64xf32, #tpu.memory_space<hbm>>
        tpu.enqueue_indirect_dma source(%dma_start3A_581 : memref<100000x64xf32, #tpu.memory_space<hbm>>) target(%arg10 : memref<128x64xf32, #tpu.memory_space<vmem>>) offsets(%dma_start3A_578 : memref<128xi32, #tpu.memory_space<vmem>>) semaphore(%arg16 : memref<!tpu.dma_semaphore, #tpu.memory_space<semaphore_mem>>)
      } else {
      }
      %rem3A_539 = arith.constant 25 : i32
      %rem3A_540 = arith.remsi %add3A_492, %rem3A_539 : i32
      %jit3A_541 = arith.constant 25 : i32
      %div3A_542 = arith.divsi %add3A_492, %jit3A_541 : i32
      %sign3A_543 = arith.constant 0 : i32
      %sign3A_544 = arith.cmpi sgt, %add3A_492, %sign3A_543 : i32
      %sign3A_545 = arith.extui %sign3A_544 : i1 to i32
      %sign3A_546 = arith.constant 0 : i32
      %sign3A_547 = arith.cmpi slt, %add3A_492, %sign3A_546 : i32
      %sign3A_548 = arith.extui %sign3A_547 : i1 to i32
      %sign3A_549 = arith.subi %sign3A_545, %sign3A_548 : i32
      %sign3A_550 = arith.constant 0 : i32
      %sign3A_551 = arith.cmpi sgt, %jit3A_541, %sign3A_550 : i32
      %sign3A_552 = arith.extui %sign3A_551 : i1 to i32
      %sign3A_553 = arith.constant 0 : i32
      %sign3A_554 = arith.cmpi slt, %jit3A_541, %sign3A_553 : i32
      %sign3A_555 = arith.extui %sign3A_554 : i1 to i32
      %sign3A_556 = arith.subi %sign3A_552, %sign3A_555 : i32
      %ne3A_557 = arith.cmpi ne, %sign3A_549, %sign3A_556 : i32
      %rem3A_558 = arith.remsi %add3A_492, %jit3A_541 : i32
      %ne3A_559 = arith.constant 0 : i32
      %ne3A_560 = arith.cmpi ne, %rem3A_558, %ne3A_559 : i32
      %and3A_561 = arith.andi %ne3A_557, %ne3A_560 : i1
      %sub3A_562 = arith.constant 1 : i32
      %sub3A_563 = arith.subi %div3A_542, %sub3A_562 : i32
      %select_n3A_564 = arith.select %and3A_561, %sub3A_563, %div3A_542 : i32
      %mul3A_565 = arith.constant 64 : i32
      %mul3A_566 = arith.muli %select_n3A_564, %mul3A_565 : i32
      %multiple_of3A_567 = tpu.assume_multiple %mul3A_566, 64 : i32
      %dma_start3A_568 = tpu.memref_slice %arg4[%rem3A_540, %multiple_of3A, %multiple_of3A_567] : memref<25x4096x128xf32, #tpu.memory_space<hbm>> -> memref<1x128x64xf32, #tpu.memory_space<hbm>>
      %dma_start3A_569 = tpu.memref_squeeze %dma_start3A_568 : memref<1x128x64xf32, #tpu.memory_space<hbm>> -> memref<128x64xf32, #tpu.memory_space<hbm>>
      %dma_start3A_570 = tpu.memref_slice %arg4[%rem3A_540, %multiple_of3A, %multiple_of3A_567] : memref<25x4096x128xf32, #tpu.memory_space<hbm>> -> memref<1x128x64xf32, #tpu.memory_space<hbm>>
      %dma_start3A_571 = tpu.memref_squeeze %dma_start3A_570 : memref<1x128x64xf32, #tpu.memory_space<hbm>> -> memref<128x64xf32, #tpu.memory_space<hbm>>
      tpu.enqueue_dma source(%arg11 : memref<128x64xf32, #tpu.memory_space<vmem>>) target(%dma_start3A_571 : memref<128x64xf32, #tpu.memory_space<hbm>>) target_semaphore(%arg23 : memref<!tpu.dma_semaphore, #tpu.memory_space<semaphore_mem>>)
    }
    %scan3A_41 = arith.constant 8 : i32
    %dma_wait3A = arith.constant 48 : i32
    %dma_wait3A_42 = arith.constant 0 : i32
    %dma_wait3A_43 = tpu.memref_slice %arg5[%dma_wait3A, %dma_wait3A_42] : memref<50x128xi32, #tpu.memory_space<vmem>> -> memref<1x128xi32, #tpu.memory_space<vmem>>
    %dma_wait3A_44 = tpu.memref_squeeze %dma_wait3A_43 : memref<1x128xi32, #tpu.memory_space<vmem>> -> memref<128xi32, #tpu.memory_space<vmem>>
    %dma_wait3A_45 = arith.constant 0 : i32
    %dma_wait3A_46 = arith.constant 0 : i32
    %dma_wait3A_47 = tpu.memref_slice %arg3[%dma_wait3A_45, %dma_wait3A_46] : memref<100000x64xf32, #tpu.memory_space<hbm>> -> memref<100000x64xf32, #tpu.memory_space<hbm>>
    tpu.wait_indirect_dma semaphore(%arg12 : memref<!tpu.dma_semaphore, #tpu.memory_space<semaphore_mem>>) src(%dma_wait3A_47 : memref<100000x64xf32, #tpu.memory_space<hbm>>) dst(%arg6 : memref<128x64xf32, #tpu.memory_space<vmem>>)
    %rem3A = arith.constant 47 : i32
    %rem3A_48 = arith.constant 25 : i32
    %rem3A_49 = arith.remsi %rem3A, %rem3A_48 : i32
    %multiple_of3A_50 = arith.constant 64 : i32
    %multiple_of3A_51 = tpu.assume_multiple %multiple_of3A_50, 64 : i32
    %dma_wait3A_52 = tpu.memref_slice %arg4[%rem3A_49, %multiple_of3A, %multiple_of3A_51] : memref<25x4096x128xf32, #tpu.memory_space<hbm>> -> memref<1x128x64xf32, #tpu.memory_space<hbm>>
    %dma_wait3A_53 = tpu.memref_squeeze %dma_wait3A_52 : memref<1x128x64xf32, #tpu.memory_space<hbm>> -> memref<128x64xf32, #tpu.memory_space<hbm>>
    %dma_wait3A_54 = tpu.memref_slice %arg4[%rem3A_49, %multiple_of3A, %multiple_of3A_51] : memref<25x4096x128xf32, #tpu.memory_space<hbm>> -> memref<1x128x64xf32, #tpu.memory_space<hbm>>
    %dma_wait3A_55 = tpu.memref_squeeze %dma_wait3A_54 : memref<1x128x64xf32, #tpu.memory_space<hbm>> -> memref<128x64xf32, #tpu.memory_space<hbm>>
    tpu.wait_dma2 semaphore(%arg23 : memref<!tpu.dma_semaphore, #tpu.memory_space<semaphore_mem>>) src(%arg11 : memref<128x64xf32, #tpu.memory_space<vmem>>) dst(%dma_wait3A_55 : memref<128x64xf32, #tpu.memory_space<hbm>>)
    %rem3A_56 = arith.constant 48 : i32
    %rem3A_57 = arith.constant 25 : i32
    %rem3A_58 = arith.remsi %rem3A_56, %rem3A_57 : i32
    %multiple_of3A_59 = arith.constant 64 : i32
    %multiple_of3A_60 = tpu.assume_multiple %multiple_of3A_59, 64 : i32
    %dma_start3A_61 = tpu.memref_slice %arg4[%rem3A_58, %multiple_of3A, %multiple_of3A_60] : memref<25x4096x128xf32, #tpu.memory_space<hbm>> -> memref<1x128x64xf32, #tpu.memory_space<hbm>>
    %dma_start3A_62 = tpu.memref_squeeze %dma_start3A_61 : memref<1x128x64xf32, #tpu.memory_space<hbm>> -> memref<128x64xf32, #tpu.memory_space<hbm>>
    %dma_start3A_63 = tpu.memref_slice %arg4[%rem3A_58, %multiple_of3A, %multiple_of3A_60] : memref<25x4096x128xf32, #tpu.memory_space<hbm>> -> memref<1x128x64xf32, #tpu.memory_space<hbm>>
    %dma_start3A_64 = tpu.memref_squeeze %dma_start3A_63 : memref<1x128x64xf32, #tpu.memory_space<hbm>> -> memref<128x64xf32, #tpu.memory_space<hbm>>
    tpu.enqueue_dma source(%arg6 : memref<128x64xf32, #tpu.memory_space<vmem>>) target(%dma_start3A_64 : memref<128x64xf32, #tpu.memory_space<hbm>>) target_semaphore(%arg18 : memref<!tpu.dma_semaphore, #tpu.memory_space<semaphore_mem>>)
    %dma_wait3A_65 = arith.constant 49 : i32
    %dma_wait3A_66 = arith.constant 0 : i32
    %dma_wait3A_67 = tpu.memref_slice %arg5[%dma_wait3A_65, %dma_wait3A_66] : memref<50x128xi32, #tpu.memory_space<vmem>> -> memref<1x128xi32, #tpu.memory_space<vmem>>
    %dma_wait3A_68 = tpu.memref_squeeze %dma_wait3A_67 : memref<1x128xi32, #tpu.memory_space<vmem>> -> memref<128xi32, #tpu.memory_space<vmem>>
    %dma_wait3A_69 = arith.constant 0 : i32
    %dma_wait3A_70 = arith.constant 0 : i32
    %dma_wait3A_71 = tpu.memref_slice %arg3[%dma_wait3A_69, %dma_wait3A_70] : memref<100000x64xf32, #tpu.memory_space<hbm>> -> memref<100000x64xf32, #tpu.memory_space<hbm>>
    tpu.wait_indirect_dma semaphore(%arg13 : memref<!tpu.dma_semaphore, #tpu.memory_space<semaphore_mem>>) src(%dma_wait3A_71 : memref<100000x64xf32, #tpu.memory_space<hbm>>) dst(%arg7 : memref<128x64xf32, #tpu.memory_space<vmem>>)
    %rem3A_72 = arith.constant 49 : i32
    %rem3A_73 = arith.constant 25 : i32
    %rem3A_74 = arith.remsi %rem3A_72, %rem3A_73 : i32
    %multiple_of3A_75 = arith.constant 64 : i32
    %multiple_of3A_76 = tpu.assume_multiple %multiple_of3A_75, 64 : i32
    %dma_start3A_77 = tpu.memref_slice %arg4[%rem3A_74, %multiple_of3A, %multiple_of3A_76] : memref<25x4096x128xf32, #tpu.memory_space<hbm>> -> memref<1x128x64xf32, #tpu.memory_space<hbm>>
    %dma_start3A_78 = tpu.memref_squeeze %dma_start3A_77 : memref<1x128x64xf32, #tpu.memory_space<hbm>> -> memref<128x64xf32, #tpu.memory_space<hbm>>
    %dma_start3A_79 = tpu.memref_slice %arg4[%rem3A_74, %multiple_of3A, %multiple_of3A_76] : memref<25x4096x128xf32, #tpu.memory_space<hbm>> -> memref<1x128x64xf32, #tpu.memory_space<hbm>>
    %dma_start3A_80 = tpu.memref_squeeze %dma_start3A_79 : memref<1x128x64xf32, #tpu.memory_space<hbm>> -> memref<128x64xf32, #tpu.memory_space<hbm>>
    tpu.enqueue_dma source(%arg7 : memref<128x64xf32, #tpu.memory_space<vmem>>) target(%dma_start3A_80 : memref<128x64xf32, #tpu.memory_space<hbm>>) target_semaphore(%arg19 : memref<!tpu.dma_semaphore, #tpu.memory_space<semaphore_mem>>)
    %rem3A_81 = arith.constant 48 : i32
    %rem3A_82 = arith.constant 25 : i32
    %rem3A_83 = arith.remsi %rem3A_81, %rem3A_82 : i32
    %multiple_of3A_84 = arith.constant 64 : i32
    %multiple_of3A_85 = tpu.assume_multiple %multiple_of3A_84, 64 : i32
    %dma_wait3A_86 = tpu.memref_slice %arg4[%rem3A_83, %multiple_of3A, %multiple_of3A_85] : memref<25x4096x128xf32, #tpu.memory_space<hbm>> -> memref<1x128x64xf32, #tpu.memory_space<hbm>>
    %dma_wait3A_87 = tpu.memref_squeeze %dma_wait3A_86 : memref<1x128x64xf32, #tpu.memory_space<hbm>> -> memref<128x64xf32, #tpu.memory_space<hbm>>
    %dma_wait3A_88 = tpu.memref_slice %arg4[%rem3A_83, %multiple_of3A, %multiple_of3A_85] : memref<25x4096x128xf32, #tpu.memory_space<hbm>> -> memref<1x128x64xf32, #tpu.memory_space<hbm>>
    %dma_wait3A_89 = tpu.memref_squeeze %dma_wait3A_88 : memref<1x128x64xf32, #tpu.memory_space<hbm>> -> memref<128x64xf32, #tpu.memory_space<hbm>>
    tpu.wait_dma2 semaphore(%arg18 : memref<!tpu.dma_semaphore, #tpu.memory_space<semaphore_mem>>) src(%arg6 : memref<128x64xf32, #tpu.memory_space<vmem>>) dst(%dma_wait3A_89 : memref<128x64xf32, #tpu.memory_space<hbm>>)
    %rem3A_90 = arith.constant 49 : i32
    %rem3A_91 = arith.constant 25 : i32
    %rem3A_92 = arith.remsi %rem3A_90, %rem3A_91 : i32
    %multiple_of3A_93 = arith.constant 64 : i32
    %multiple_of3A_94 = tpu.assume_multiple %multiple_of3A_93, 64 : i32
    %dma_wait3A_95 = tpu.memref_slice %arg4[%rem3A_92, %multiple_of3A, %multiple_of3A_94] : memref<25x4096x128xf32, #tpu.memory_space<hbm>> -> memref<1x128x64xf32, #tpu.memory_space<hbm>>
    %dma_wait3A_96 = tpu.memref_squeeze %dma_wait3A_95 : memref<1x128x64xf32, #tpu.memory_space<hbm>> -> memref<128x64xf32, #tpu.memory_space<hbm>>
    %dma_wait3A_97 = tpu.memref_slice %arg4[%rem3A_92, %multiple_of3A, %multiple_of3A_94] : memref<25x4096x128xf32, #tpu.memory_space<hbm>> -> memref<1x128x64xf32, #tpu.memory_space<hbm>>
    %dma_wait3A_98 = tpu.memref_squeeze %dma_wait3A_97 : memref<1x128x64xf32, #tpu.memory_space<hbm>> -> memref<128x64xf32, #tpu.memory_space<hbm>>
    tpu.wait_dma2 semaphore(%arg19 : memref<!tpu.dma_semaphore, #tpu.memory_space<semaphore_mem>>) src(%arg7 : memref<128x64xf32, #tpu.memory_space<vmem>>) dst(%dma_wait3A_98 : memref<128x64xf32, #tpu.memory_space<hbm>>)
    return
  }
}

module attributes {stable_mosaic.version = 14 : i64} {
  func.func @_tc_body(%arg0: i32, %arg1: memref<1x4096x128xf32, #tpu.memory_space<vmem>>, %arg2: memref<2x1x64x4096xf32, #tpu.memory_space<vmem>>) attributes {dimension_semantics = [#tpu.dimension_semantics<arbitrary>], iteration_bounds = array<i64: 25>, scalar_prefetch = 0 : i64, scratch_operands = 0 : i64, tpu.core_type = #tpu.core_type<tc>, window_params = [{transform_indices = @transform_0, window_bounds = array<i64: 1, 4096, 128>}, {transform_indices = @transform_1, window_bounds = array<i64: 2, 1, 64, 4096>}]} {
    %get3A = arith.constant 0 : index
    %get3A_0 = arith.constant 0 : index
    %get3A_1 = arith.constant 0 : index
    %get3A_2 = vector.load %arg1[%get3A, %get3A_0, %get3A_1] : memref<1x4096x128xf32, #tpu.memory_space<vmem>>, vector<1x4096x128xf32>
    %get3A_3 = vector.shape_cast %get3A_2 : vector<1x4096x128xf32> to vector<4096x128xf32>
    %transpose3A = tpu.transpose %get3A_3, [1, 0] : vector<4096x128xf32> -> vector<128x4096xf32>
    %slice3A = vector.extract_strided_slice %transpose3A {offsets = [0, 0], sizes = [64, 4096], strides = [1, 1]} : vector<128x4096xf32> to vector<64x4096xf32>
    %swap3A = arith.constant 0 : index
    %swap3A_4 = arith.constant 0 : index
    %swap3A_5 = arith.constant 0 : index
    %swap3A_6 = arith.constant 0 : index
    %swap3A_7 = vector.load %arg2[%swap3A, %swap3A_4, %swap3A_5, %swap3A_6] : memref<2x1x64x4096xf32, #tpu.memory_space<vmem>>, vector<1x1x64x4096xf32>
    %swap3A_8 = vector.shape_cast %swap3A_7 : vector<1x1x64x4096xf32> to vector<64x4096xf32>
    %swap3A_9 = vector.shape_cast %slice3A : vector<64x4096xf32> to vector<1x1x64x4096xf32>
    tpu.vector_store %arg2[%swap3A, %swap3A_4, %swap3A_5, %swap3A_6], %swap3A_9 {strides = array<i32>} : memref<2x1x64x4096xf32, #tpu.memory_space<vmem>>, vector<1x1x64x4096xf32>,
    %slice3A_10 = vector.extract_strided_slice %transpose3A {offsets = [64, 0], sizes = [64, 4096], strides = [1, 1]} : vector<128x4096xf32> to vector<64x4096xf32>
    %swap3A_11 = arith.constant 1 : index
    %swap3A_12 = arith.constant 0 : index
    %swap3A_13 = arith.constant 0 : index
    %swap3A_14 = arith.constant 0 : index
    %swap3A_15 = vector.load %arg2[%swap3A_11, %swap3A_12, %swap3A_13, %swap3A_14] : memref<2x1x64x4096xf32, #tpu.memory_space<vmem>>, vector<1x1x64x4096xf32>
    %swap3A_16 = vector.shape_cast %swap3A_15 : vector<1x1x64x4096xf32> to vector<64x4096xf32>
    %swap3A_17 = vector.shape_cast %slice3A_10 : vector<64x4096xf32> to vector<1x1x64x4096xf32>
    tpu.vector_store %arg2[%swap3A_11, %swap3A_12, %swap3A_13, %swap3A_14], %swap3A_17 {strides = array<i32>} : memref<2x1x64x4096xf32, #tpu.memory_space<vmem>>, vector<1x1x64x4096xf32>,
    return
  }
  func.func @transform_0(%arg0: i32) -> (i32, i32, i32) {
    %c0_i32 = arith.constant 0 : i32
    %c0_i32_0 = arith.constant 0 : i32
    %c0_i32_1 = arith.constant 0 : i32
    return %arg0, %c0_i32, %c0_i32_0 : i32, i32, i32
  }
  func.func @transform_1(%arg0: i32) -> (i32, i32, i32, i32) {
    %c0_i32 = arith.constant 0 : i32
    %c0_i32_0 = arith.constant 0 : i32
    %c0_i32_1 = arith.constant 0 : i32
    %c0_i32_2 = arith.constant 0 : i32
    return %c0_i32, %arg0, %c0_i32_0, %c0_i32_1 : i32, i32, i32, i32
  }
}

</mosaic_0001>

<sc_bundles>
// kernel: kernel.4.cloned.1.call-start
scs
__scs_entry_jumppad:
0x0: {  	(pc) =	sbr.rel $0x88, $3  }
0x1: {  	(tag) =	ssettag $0x0;
	lr =	simm.s32 $0x1  }
0x2: {  	[smem:$0x3F9F] =	sst lr;
	_ =	strace $0xD0000000  }
0x3: {  	_ = 	snop  }
0x4: {  	_ = 	snop  }
0x5: {  	_ = 	snop  }
0x6: {  	_ = 	snop  }
0x7: {  	_ = 	snop  }
__scs_overlays_trampoline_lowered:
0x8: {  	[smem:$0x3FAE] =	sst s0  }
0x9: {  	[smem:$0x3FAF] =	sst s1  }
0xa: {  	[smem:$0x3FB0] =	sst s2  }
0xb: {  	[smem:$0x3FB1] =	sst s3  }
0xc: {  	[smem:$0x3FB2] =	sst s4  }
0xd: {  	[smem:$0x3FB3] =	sst s5  }
0xe: {  	[smem:$0x3FB4] =	sst s6  }
0xf: {  	[smem:$0x3FB5] =	sst s7  }
0x10: {  	[smem:$0x3FB6] =	sst s8  }
0x11: {  	[smem:$0x3FB7] =	sst s9;
	s0 =	simm.s32 @!p0 $0x0  }
0x12: {  	s1 =	sld [smem:$0x3F9D];
	s0 =	simm.s32 @p0 $0x1  }
0x13: {  	[smem:$0x3FB8] =	sst s0;
	s0 =	simm.s32 @!p1 $0x0  }
0x14: {  	s2 =	sld [smem:$0x3F9C];
	s0 =	simm.s32 @p1 $0x1  }
0x15: {  	[smem:$0x3FB9] =	sst s0;
	s0 =	simm.s32 @!p2 $0x0  }
0x16: {  	s3 =	sld [smem:$0x3FDB];
	s0 =	simm.s32 @p2 $0x1  }
0x17: {  	s4 =	simm.s32 $0x1BF5;
	[smem:$0x3FBB] =	sst s0  }
0x18: {  	s0 =	sld [smem:$0x3F9E];
	_ =	swait.ge [sflag:s4], $0x0  }
0x19: {  	s7 =	sld [smem:$0x3F9F]  }
0x1a: {  	s8 =	sadd.s32 $0xFFFFE003, lr  }
0x1b: {  	s9 =	sadd.s32 $0xFFFFFEF7, lr;
	s5 =	simm.s32 $0xFFFFFFFF;
	p2 =	slt.u32 s8, $0xFFFFF086  }
0x1c: {  	p1 =	slt.u32 s9, $0xF7A;
	s5 =	simm.s32 @!p2 $0x0  }
0x1d: {  	s5 =	simm.s32 @p1 $0x1;
	p0 =	seq.s32 s7, s2  }
0x1e: {  	s7 =	smul.u32 @!p0 $0xF7A, s2;
	p2 =	seq.s32 @!p0 s5, $0x0  }
0x1f: {  	s9 =	smul.u32 $0xF7A, s1;
	s8 =	simm.s32 @!p0 $0x1BF5;
	p2 =	por !p2, p0  }
0x20: {  	[sflag:s8] =	ssyncset.s32 @!p0 $0xFFFFF086;
	s6 =	sadd.s32 @!p0 s3, s7;
	s7 =	simm.s32 @!p0 $0x108  }
0x21: {  	s3 =	sadd.s32 s3, s9;
	s6 =	sadd.s32 @!p0 $0x88, s6;
	s7 =	simm.s32 @p2 $0x1082  }
0x22: {  	[simem:s7], [sflag:s8] =	dma.local @!p0 [hbm:s6], $0xF7A  }
0x23: {  	s9 =	sor.u32 $0xD0000000, s2;
	s6 =	simm.s32 $0x108;
	_ =	swait.ge @!p0 [sflag:s8], $0x0  }
0x24: {  	s3 =	sadd.s32 $0x88, s3;
	s6 =	simm.s32 @!p1 $0x1082;
	[sflag:s4] =	ssyncset.s32 $0xFFFFF086  }
0x25: {  	[simem:s6], [sflag:s4] =	dma.local [hbm:s3], $0xF7A  }
0x26: {  	[smem:$0x3F9F] =	sst s1;
	(tag) =	ssettag s2;
	_ =	strace s9  }
0x27: {  	s1 =	sld [smem:$0x3FAF]  }
0x28: {  	s2 =	sld [smem:$0x3FB0]  }
0x29: {  	s4 =	sld [smem:$0x3FB2]  }
0x2a: {  	p0 =	seq.s32 s5, $0x0;
	s5 =	sld [smem:$0x3FB3]  }
0x2b: {  	s6 =	sld [smem:$0x3FB4]  }
0x2c: {  	s7 =	sld [smem:$0x3FB5]  }
0x2d: {  	s3 =	simm.s32 $0x108;
	s8 =	sld [smem:$0x3FB6]  }
0x2e: {  	s3 =	simm.s32 @!p0 $0x1082;
	s9 =	sld [smem:$0x3FB7]  }
0x2f: {  	lr =	sadd.s32 s0, s3;
	s0 =	sld [smem:$0x3FAE]  }
0x30: {  	s3 =	sld [smem:$0x3FB1]  }
0x31: {  	[smem:$0x3FBA] =	sst s10  }
0x32: {  	s10 =	sld [smem:$0x3FB8];
	_ =	sdelay $0x3  }
0x33: {  	p0 =	seq.s32 s10, $0x1;
	s10 =	sld [smem:$0x3FBA];
	_ =	sdelay $0x3  }
0x34: {  	[smem:$0x3FBA] =	sst s10  }
0x35: {  	s10 =	sld [smem:$0x3FB9];
	_ =	sdelay $0x3  }
0x36: {  	p1 =	seq.s32 s10, $0x1;
	s10 =	sld [smem:$0x3FBA];
	_ =	sdelay $0x3  }
0x37: {  	[smem:$0x3FBA] =	sst s10  }
0x38: {  	s10 =	sld [smem:$0x3FBB]  }
0x39: {  	_ = 	snop;
	(pc) =	sbr.ind lr, $3  }
0x3a: {  	_ = 	snop  }
0x3b: {  	_ = 	snop  }
0x3c: {  	p2 =	seq.s32 s10, $0x1;
	s10 =	sld [smem:$0x3FBA]  }
0x3d: {  	_ =	shalt  }
0x3e: {  	_ =	shalt  }
0x3f: {  	_ =	shalt  }
0x40: {  	_ =	shalt  }
0x41: {  	_ =	shalt  }
0x42: {  	_ =	shalt  }
0x43: {  	_ =	shalt  }
0x44: {  	_ =	shalt  }
0x45: {  	_ =	shalt  }
0x46: {  	_ =	shalt  }
0x47: {  	_ =	shalt  }
0x48: {  	_ =	shalt  }
0x49: {  	_ =	shalt  }
0x4a: {  	_ =	shalt  }
0x4b: {  	_ =	shalt  }
0x4c: {  	_ =	shalt  }
0x4d: {  	_ =	shalt  }
0x4e: {  	_ =	shalt  }
0x4f: {  	_ =	shalt  }
0x50: {  	_ =	shalt  }
0x51: {  	_ =	shalt  }
0x52: {  	_ =	shalt  }
0x53: {  	_ =	shalt  }
0x54: {  	_ =	shalt  }
0x55: {  	_ =	shalt  }
0x56: {  	_ =	shalt  }
0x57: {  	_ =	shalt  }
0x58: {  	_ =	shalt  }
0x59: {  	_ =	shalt  }
0x5a: {  	_ =	shalt  }
0x5b: {  	_ =	shalt  }
0x5c: {  	_ =	shalt  }
0x5d: {  	_ =	shalt  }
0x5e: {  	_ =	shalt  }
0x5f: {  	_ =	shalt  }
0x60: {  	_ =	shalt  }
0x61: {  	_ =	shalt  }
0x62: {  	_ =	shalt  }
0x63: {  	_ =	shalt  }
0x64: {  	_ =	shalt  }
0x65: {  	_ =	shalt  }
0x66: {  	_ =	shalt  }
0x67: {  	_ =	shalt  }
0x68: {  	_ =	shalt  }
0x69: {  	_ =	shalt  }
0x6a: {  	_ =	shalt  }
0x6b: {  	_ =	shalt  }
0x6c: {  	_ =	shalt  }
0x6d: {  	_ =	shalt  }
0x6e: {  	_ =	shalt  }
0x6f: {  	_ =	shalt  }
0x70: {  	_ =	shalt  }
0x71: {  	_ =	shalt  }
0x72: {  	_ =	shalt  }
0x73: {  	_ =	shalt  }
0x74: {  	_ =	shalt  }
0x75: {  	_ =	shalt  }
0x76: {  	_ =	shalt  }
0x77: {  	_ =	shalt  }
0x78: {  	_ =	shalt  }
0x79: {  	_ =	shalt  }
0x7a: {  	_ =	shalt  }
0x7b: {  	_ =	shalt  }
0x7c: {  	_ =	shalt  }
0x7d: {  	_ =	shalt  }
0x7e: {  	_ =	shalt  }
0x7f: {  	_ =	shalt  }
0x80: {  	_ =	shalt  }
0x81: {  	_ =	shalt  }
0x82: {  	_ =	shalt  }
0x83: {  	_ =	shalt  }
0x84: {  	_ =	shalt  }
0x85: {  	_ =	shalt  }
0x86: {  	_ =	shalt  }
0x87: {  	_ =	shalt  }
.Lfunc_end0:
.L_simem_size_0:
called_computation_lowered:
.L_overlay_start_0:
0x88: {  	s2 =	sld [smem:$0x3FD9]  }
0x89: {  	s3 =	sld [smem:$0x3FFE];
	_ =	sdelay $0x1  }
0x8a: {  	s1 =	srdreg.scid  }
0x8b: {  	s0 =	sand.u32 $0x1, s1  }
0x8c: {  	s16 =	sshll.u32 s0, $0xA;
	s2 =	sadd.s32 s3, s2  }
0x8d: {  	s2 =	sadd.s32 s2, s16  }
0x8e: {  	[smem:$0x3FC6] =	sst s2  }
0x8f: {  	_ = 	snop  }
0x90: {  	(tm) =	ssettm $0x1  }
0x91: {  	s17 =	sld [smem:$0x3FFB];
	_ =	sdelay $0x3  }
0x92: {  	_ =	strace s17  }
0x93: {  	s2 =	sld [smem:$0x3FFC];
	_ =	sdelay $0x3  }
0x94: {  	_ =	strace s2  }
0x95: {  	s2 =	sld [smem:$0x3FFD];
	_ =	sdelay $0x3  }
0x96: {  	_ =	strace s2  }
0x97: {  	_ =	strace $0x8FFFFFFF  }
0x98: {  	s18 =	sld [smem:$0x3FDB];
	_ =	sdelay $0x1  }
0x99: {  	s19 =	simm.s32 $_scs_section_size  }
0x9a: {  	s4 =	simm.s32 $_size__tile_overlayer_lowered;
	s5 =	simm.s32 $_tile_overlayer_lowered  }
0x9b: {  	s22 =	simm.s32 $0x1BFF;
	s21 =	sshll.u32 s5, $0x1;
	s2 =	sadd.s32 s19, s18  }
0x9c: {  	s6 =	simm.s32 $0x0;
	s20 =	sshll.u32 s4, $0x1;
	s4 =	sadd.s32 s21, s2  }
0x9d: {  	[timem:s6], [sflag:s22] =	dma.local [hbm:s4], s20  }
0x9e: {  	_ =	swait.ge [sflag:s22], s20  }
0x9f: {  	s3 =	ssub.s32 $0x0, s20;
	[sflag:s22] =	ssyncset.done $0x0  }
0xa0: {  	[sflag:s22] =	ssyncadd.s32 s3;
	_ =	sdelay $0x1  }
0xa1: {  	s23 =	simm.s32 $0x1B8B  }
0xa2: {  	_ =	swait.ge [sflag:s23], $0x1  }
0xa3: {  	[sflag:s23] =	ssyncset.done $0x0  }
0xa4: {  	s25 =	simm.s32 $0x1B8E;
	s24 =	sld [smem:$0x3FFE];
	[sflag:s23] =	ssyncadd.s32 $0xFFFFFFFF  }
0xa5: {  	s26 =	simm.s32 $execute0_lowered;
	[smem:$0x3FD2] =	sst s25  }
0xa6: {  	s4 =	sshll.u32 s26, $0x1;
	_ =	strace $0x80000046;
	[dreg:$0x1] =	wrdreg $0xFFFFFFFF  }
0xa7: {  	s28 =	simm.s32 $_size_execute0_lowered;
	s2 =	sadd.s32 s2, s4;
	[dreg:$0x0] =	wrdreg $0x0  }
0xa8: {  	s4 =	sshll.u32 s28, $0x1;
	[dreg:$0x2] =	wrdreg s2  }
0xa9: {  	[dreg:$0x3] =	wrdreg s4  }
0xaa: {  	[dreg:$0x4] =	wrdreg $0xC0  }
0xab: {  	_ =	task [dreg:s6], $0x5FFFF  }
0xac: {  	[dreg:$0x1] =	wrdreg $0xFFFFFFFF  }
0xad: {  	[dreg:$0x0] =	wrdreg $0x60  }
0xae: {  	[dreg:$0x2] =	wrdreg s24  }
0xaf: {  	[dreg:$0x3] =	wrdreg $0x9  }
0xb0: {  	_ =	task.clear_ibuf [dreg:s6], $0x4FFFF;
	_ =	strace $0x90000046  }
0xb1: {  	s29 =	simm.s32 $0x9;
	_ =	strace $0x80000048  }
0xb2: {  	_ =	swait.ge [sflag:s29], $0x1  }
0xb3: {  	[sflag:s29] =	ssyncadd.s32 $0xFFFFFFFF  }
0xb4: {  	_ =	strace $0x90000048  }
0xb5: {  	_ =	sfence  }
0xb6: {  	s30 =	sld [smem:$0x0];
	_ =	sdelay $0x2  }
0xb7: {  	s31 =	sshll.u32 s1, $0xD;
	s1 =	sshrl.u32 s1, $0x2  }
0xb8: {  	s3 =	sand.u32 $0x4000, s31;
	s1 =	sadd.s32 s1, s30  }
0xb9: {  	s0 =	sor.u32 s3, s0;
	s1 =	sshll.u32 s1, $0x11  }
0xba: {  	s0 =	sor.u32 s1, s0  }
0xbb: {  	s0 =	sadd.s32 $0x8F2B, s0  }
0xbc: {  	[sflag:s0] =	ssyncadd.remote.s32 $0x1  }
0xbd: {  	_ =	sfence.sel $0xFFFF  }
0xbe: {  	[dreg:$0x0] =	wrdreg $0xFFFFFFFF;
	(pc) =	sbr.abs _section_cstart, $3  }
0xbf: {  	[dreg:$0x1] =	wrdreg $0xFFFFFFFF  }
0xc0: {  	_ =	task.clear_ibuf [dreg:s6], $0x2FFFF;
	_ =	strace $0x9FFFFFFF  }
0xc1: {  	(tm) =	ssettm $0x7FFFFFFF  }
tec
execute0_lowered:
.L_overlay_start_1:
0x0: {  	(tag) =	ssettag $0x1  }
0x1: {  	s0 =	srdreg.scid;
	s2 =	stileid.u32  }
0x2: {  	s1 =	rddreg [dreg:$0x0];
	s4 =	simm.s32 $0x0;
	s31 =	simm.s32 $0xFFFFFFEA  }
0x3: {  	s0 =	sand.u32 $0x1, s0;
	s2 =	sshll.u32 s2, $0x8;
	[smem:$0x7FF] =	sst s4  }
0x4: {  	s26 =	sadd.s32 $0xC9E00, s1;
	s3 =	sshll.u32 s0, $0x7;
	_ =	strace $0x80000047  }
0x5: {  	s0 =	ssub.s32 $0x2, s0;
	[dreg:$0x3] =	wrdreg s26;
	s2 =	sor.u32 s3, s2  }
0x6: {  	[dreg:$0x2] =	wrdreg s31;
	s6 =	sshrl.u32 s0, $0x1;
	s3 =	sshrl.u32 s2, $0x3  }
0x7: {  	s7 =	sshll.u32 s2, $0x4;
	s0 =	ssub.s32 s0, s6;
	s2 =	sshll.u32 s2, $0x7  }
0x8: {  	s5 =	sadd.s32 s3, s1;
	s1 =	sadd.s32 $0x6800, s1;
	[dreg:$0x5] =	wrdreg s2  }
0x9: {  	s0 =	smax.u32 s0, $0x1;
	[dreg:$0x4] =	wrdreg s1  }
0xa: {  	s28 =	sadd.s32 s7, s26;
	s29 =	sadd.s32 $0x400, s5;
	[dreg:$0xd] =	wrdreg s0  }
0xb: {  	s30 =	sadd.s32 $0x170008, s28;
	[dreg:$0xa] =	wrdreg s29  }
0xc: {  	s1 =	sadd.s32 $0x180008, s28;
	[dreg:$0xb] =	wrdreg s30  }
0xd: {  	s4 =	simm.s32 $0xB900;
	[dreg:$0xc] =	wrdreg s1;
	s1 =	simm.s32 $0x0  }
.LBB2_1:
0xe: {  	[dreg:$0xe] =	wrdreg s1  }
0xf: {  	s3 =	simm.s32 $0x0;
	s0 =	rddreg [dreg:$0xa]  }
0x10: {  	s10 =	simm.s32 $0x80;
	s5 =	simm.s32 $0x1000;
	s6 =	simm.s32 $0xD  }
0x11: {  	s22 =	simm.s32 $0x1900;
	s23 =	simm.s32 $0x3900;
	s7 =	simm.s32 $0x100  }
0x12: {  	s24 =	simm.s32 $0x5900;
	s8 =	simm.s32 $0x180;
	s29 =	simm.s32 $0x7900  }
0x13: {  	s9 =	simm.s32 $0x200;
	s11 =	simm.s32 $0x9900;
	s1 =	simm.s32 $0xFFFFFFE8  }
0x14: {  	s2 =	simm.s32 $0x1;
	p0 =	por $0x1, $0x1;
	p1 =	por $0x1, $0x1  }
0x15: {  	s12 =	simm.s32 $0x5;
	s19 =	simm.s32 $0xFFFFFFF8;
	s18 =	simm.s32 $0x1  }
0x16: {  	s20 =	simm.s32 $0x10;
	s21 =	simm.s32 $0x1;
	p2 =	por $0x1, $0x1  }
0x17: {  	s25 =	simm.s32 $0x280;
	s26 =	simm.s32 $0x2;
	s28 =	simm.s32 $0x11  }
0x18: {  	[tilespmem:s3], [sflag:$0xD] =	stream.strided.gather [hbm4b:s0+s10], $0x1900, s5, s10, $0x38;
	[tilespmem:$0xD900] =	vst v63  }
0x19: {  	s0 =	simm.s32 $0xFFFFFFEC;
	s14 =	sand.u32 $0x40, s3;
	s5 =	simm.s32 $0x2  }
0x1a: {  	s1 =	smov.u32 @p1 s2;
	p1 =	por $0x1, $0x1;
	_ =	swait.ge [sflag:s6], $0x1900  }
0x1b: {  	s5 =	simm.s32 @!p0 $0xFFFFFFE9;
	s0 =	smov.u32 @p0 s12;
	[sflag:s6] =	ssyncset.done $0x0  }
0x1c: {  	s1 =	sshll.u32 s1, $0x13;
	[sflag:s6] =	ssyncadd.s32 $0xFFFFE700;
	s6 =	rddreg [dreg:$0x4]  }
0x1d: {  	[tilespmem:s22], [sflag:$0x1] =	stream.indirect.gather [hbm4b:s6+s10], $0x40, s3, s10, $0xb8;
	[tilespmem:$0xD900] =	vst v63  }
0x1e: {  	[dreg:$0x6] =	wrdreg s18;
	s13 =	sadd.s32 $0xFFFFFFEC, s5;
	s0 =	sshll.u32 s0, $0x13  }
0x1f: {  	[tilespmem:s23], [sflag:$0x2] =	stream.indirect.gather [hbm4b:s6+s10], $0x40, s10, s10, $0xb8;
	[tilespmem:$0xD900] =	vst v63  }
0x20: {  	s1 =	sor.u32 s14, s1;
	s5 =	sshll.u32 s13, $0x13;
	s15 =	sor.u32 s14, s0  }
0x21: {  	[tilespmem:s24], [sflag:$0x3] =	stream.indirect.gather [hbm4b:s6+s10], $0x40, s7, s10, $0xb8;
	[tilespmem:$0xD900] =	vst v63  }
0x22: {  	s13 =	simm.s32 $0xFFFFFFEE;
	s16 =	sor.u32 s14, s5;
	s5 =	simm.s32 $0xFF380000  }
0x23: {  	[tilespmem:s29], [sflag:$0x4] =	stream.indirect.gather [hbm4b:s6+s10], $0x40, s8, s10, $0xb8;
	[tilespmem:$0xD900] =	vst v63  }
0x24: {  	s5 =	smov.u32 @p1 s3;
	p1 =	por $0x1, $0x1;
	s8 =	simm.s32 $0x4  }
0x25: {  	s18 =	simm.s32 @!p1 $0xC;
	s7 =	simm.s32 $0x500;
	s8 =	simm.s32 @!p0 $0xFFFFFFEB  }
0x26: {  	[tilespmem:s11], [sflag:$0x5] =	stream.indirect.gather [hbm4b:s6+s10], $0x40, s9, s10, $0xb8;
	[tilespmem:$0xD900] =	vst v63  }
0x27: {  	p0 =	por $0x0, $0x0;
	s12 =	sadd.s32 $0xFFFFFFEC, s8;
	s11 =	rddreg [dreg:$0x5]  }
0x28: {  	s9 =	simm.s32 $0xFFFFFFF2;
	s8 =	sshll.u32 s12, $0x13;
	s1 =	sor.u32 s11, s1  }
0x29: {  	s0 =	sadd.s32 s11, s16;
	s12 =	sor.u32 s11, s15;
	_ =	swait.ge [sflag:s21], $0x2000  }
0x2a: {  	s15 =	simm.s32 $0xB;
	s2 =	sshrl.u32 s1, $0x3;
	s17 =	sor.u32 s14, s8  }
0x2b: {  	s8 =	simm.s32 $0x40;
	s0 =	sadd.s32 $0xA00000, s0;
	s16 =	sshrl.u32 s12, $0x3  }
0x2c: {  	s12 =	sand.u32 $0x40, s20;
	[sflag:s21] =	ssyncset.done $0x0;
	s20 =	simm.s32 $0x2  }
0x2d: {  	s1 =	sadd.s32 s11, s17;
	s8 =	simm.s32 @!p0 $0x4;
	s17 =	simm.s32 $0x7  }
0x2e: {  	[sflag:s21] =	ssyncadd.s32 $0xFFFFE000;
	p0 =	por $0x1, $0x1;
	s21 =	simm.s32 $0x4  }
0x2f: {  	s0 =	sshrl.u32 s0, $0x3;
	s5 =	sor.u32 s5, s8;
	_ =	swait.ge @!p1 [sflag:s18], $0x2000  }
0x30: {  	s20 =	simm.s32 @!p0 $0xFFFFFFE9;
	s21 =	simm.s32 @!p0 $0xFFFFFFEB;
	s8 =	simm.s32 $0x40  }
0x31: {  	s13 =	smov.u32 @p2 s17;
	s1 =	sadd.s32 $0xA00000, s1;
	p2 =	por $0x1, $0x1  }
0x32: {  	s5 =	sor.u32 s11, s5;
	[sflag:s18] =	ssyncset.done @!p1 $0x0;
	s13 =	sshll.u32 s13, $0x13  }
0x33: {  	s17 =	sadd.s32 $0xFFFFFFF2, s20;
	s20 =	simm.s32 $0x7;
	s5 =	sshrl.u32 s5, $0x3  }
0x34: {  	[sflag:s18] =	ssyncadd.s32 @!p1 $0xFFFFE000;
	s18 =	simm.s32 $0xFFFFFFF2;
	p1 =	por $0x0, $0x0  }
0x35: {  	[tilespmem:s4], [sflag:$0x6] =	stream.indirect.gather [hbm4b:s6+s10], $0x40, s25, s10, $0xb8;
	[tilespmem:$0xD900] =	vst v63  }
0x36: {  	s4 =	rddreg [dreg:$0x3];
	s18 =	smov.u32 @p0 s15;
	s15 =	sadd.s32 $0xFFFFFFF2, s21  }
0x37: {  	s25 =	simm.s32 $0x300;
	p0 =	por $0x0, $0x0;
	s5 =	sadd.s32 s4, s5  }
0x38: {  	s21 =	sshll.u32 s18, $0x13;
	s2 =	sadd.s32 s4, s2;
	s0 =	sadd.s32 s4, s0  }
0x39: {  	[hbm4b:s5+s8] =	stream.strided.scatter [tilespmem:s22], [sflag:$0x7], $0x2000, s10, s8, $0x38;
	[tilespmem:$0xD900] =	vst v63  }
0x3a: {  	s31 =	simm.s32 @!p0 $0x80;
	s5 =	sor.u32 s12, s13;
	_ =	swait.ge [sflag:s26], $0x2000  }
0x3b: {  	s13 =	sshll.u32 s15, $0x13;
	s15 =	sshll.u32 s17, $0x13;
	[sflag:s26] =	ssyncset.done $0x0  }
0x3c: {  	s17 =	smov.u32 s12;
	s5 =	sor.u32 s11, s5;
	[sflag:s26] =	ssyncadd.s32 $0xFFFFE000  }
0x3d: {  	s15 =	sor.u32 s12, s15;
	s3 =	sor.u32 s12, s13;
	_ =	swait.ge [sflag:s20], $0x2000  }
0x3e: {  	s13 =	simm.s32 $0xFFFFFFFE;
	s18 =	sshrl.u32 s5, $0x3;
	[sflag:s20] =	ssyncset.done $0x0  }
0x3f: {  	s5 =	simm.s32 $0xFF680000;
	s26 =	sor.u32 s12, s21;
	[sflag:s20] =	ssyncadd.s32 $0xFFFFE000  }
0x40: {  	[tilespmem:s22], [sflag:$0x1] =	stream.indirect.gather [hbm4b:s6+s10], $0x40, s25, s10, $0xb8;
	[tilespmem:$0xD900] =	vst v63  }
0x41: {  	s12 =	sadd.s32 s11, s15;
	s15 =	simm.s32 $0x3;
	s21 =	sor.u32 s11, s26  }
0x42: {  	[hbm4b:s2+s8] =	stream.strided.scatter [tilespmem:s23], [sflag:$0x8], $0x2000, s10, s8, $0x38;
	[tilespmem:$0xD900] =	vst v63  }
0x43: {  	s26 =	simm.s32 $0x4;
	s2 =	sadd.s32 s11, s3;
	_ =	swait.ge [sflag:s15], $0x2000  }
0x44: {  	[dreg:$0x8] =	wrdreg s2;
	s2 =	sshrl.u32 s21, $0x3;
	[sflag:s15] =	ssyncset.done $0x0  }
0x45: {  	s22 =	simm.s32 $0x8;
	[dreg:$0x7] =	wrdreg s2;
	[sflag:s15] =	ssyncadd.s32 $0xFFFFE000  }
0x46: {  	s20 =	sadd.s32 $0xA00000, s12;
	s25 =	simm.s32 $0x380;
	_ =	swait.ge [sflag:s22], $0x2000  }
0x47: {  	s21 =	simm.s32 $0x40;
	s2 =	simm.s32 $0x300000;
	[sflag:s22] =	ssyncset.done $0x0  }
0x48: {  	s21 =	simm.s32 @!p1 $0x4;
	p1 =	por $0x1, $0x1;
	[sflag:s22] =	ssyncadd.s32 $0xFFFFE000  }
0x49: {  	[tilespmem:s23], [sflag:$0x2] =	stream.indirect.gather [hbm4b:s6+s10], $0x40, s25, s10, $0xb8;
	[tilespmem:$0xD900] =	vst v63  }
0x4a: {  	s12 =	simm.s32 $0x9;
	s5 =	smov.u32 @p1 s2;
	p1 =	por $0x0, $0x0  }
0x4b: {  	[hbm4b:s0+s8] =	stream.strided.scatter [tilespmem:s24], [sflag:$0x9], $0x2000, s10, s8, $0x38;
	[tilespmem:$0xD900] =	vst v63  }
0x4c: {  	s15 =	sshrl.u32 s1, $0x3;
	s5 =	sor.u32 s5, s21;
	_ =	swait.ge [sflag:s26], $0x2000  }
0x4d: {  	s21 =	simm.s32 @!p0 $0x5900;
	s1 =	sadd.s32 s4, s15;
	[sflag:s26] =	ssyncset.done $0x0  }
0x4e: {  	s22 =	simm.s32 $0x20;
	s0 =	sor.u32 s11, s5;
	[sflag:s26] =	ssyncadd.s32 $0xFFFFE000  }
0x4f: {  	s5 =	simm.s32 $0x2;
	s25 =	sshrl.u32 s0, $0x3;
	_ =	swait.ge [sflag:s12], $0x2000  }
0x50: {  	s0 =	simm.s32 $0xFFFFFFF4;
	s24 =	rddreg [dreg:$0x2];
	[sflag:s12] =	ssyncset.done $0x0  }
0x51: {  	s26 =	simm.s32 @!p0 $0x400;
	[sflag:s12] =	ssyncadd.s32 $0xFFFFE000;
	s24 =	simm.s32 @!p1 $0x3  }
0x52: {  	[tilespmem:s21], [sflag:$0x3] =	stream.indirect.gather @!p0 [hbm4b:s6+s31], $0x40, s26, s31, $0xb8;
	[tilespmem:$0xD900] =	vst v63  }
0x53: {  	p1 =	por $0x1, $0x1;
	s12 =	simm.s32 $0x5;
	s21 =	simm.s32 $0xD  }
0x54: {  	s26 =	simm.s32 $0x2;
	s24 =	sadd.s32 $0xFFFFFFEC, s24;
	s0 =	smov.u32 @p2 s21  }
0x55: {  	s21 =	simm.s32 $0xFFFFFFF8;
	s24 =	sshll.u32 s24, $0x13;
	s26 =	simm.s32 @!p1 $0xFFFFFFE9  }
0x56: {  	s21 =	smov.u32 @p1 s28;
	s28 =	simm.s32 $0x4;
	s24 =	sor.u32 s14, s24  }
0x57: {  	s14 =	sand.u32 $0x40, s22;
	s0 =	sshll.u32 s0, $0x13;
	s26 =	sadd.s32 $0xFFFFFFF8, s26  }
0x58: {  	s28 =	simm.s32 @!p1 $0xFFFFFFEB;
	s24 =	sadd.s32 s11, s24;
	s0 =	sor.u32 s14, s0  }
0x59: {  	s26 =	sshll.u32 s26, $0x13;
	s23 =	sshll.u32 s21, $0x13;
	s24 =	sadd.s32 $0xA00000, s24  }
0x5a: {  	s28 =	sadd.s32 $0xFFFFFFF8, s28;
	s0 =	sor.u32 s11, s0;
	s24 =	sshrl.u32 s24, $0x3  }
0x5b: {  	s15 =	sor.u32 s14, s26;
	s28 =	sshll.u32 s28, $0x13;
	s6 =	sadd.s32 s4, s24  }
0x5c: {  	[hbm4b:s6+s8] =	stream.strided.scatter [tilespmem:s29], [sflag:$0xA], $0x2000, s10, s8, $0x38;
	[tilespmem:$0xD900] =	vst v63  }
0x5d: {  	s21 =	sshrl.u32 s0, $0x3;
	s0 =	sadd.s32 s11, s15;
	_ =	swait.ge [sflag:s12], $0x2000  }
0x5e: {  	s24 =	sor.u32 s14, s23;
	s23 =	sor.u32 s14, s28;
	[sflag:s12] =	ssyncset.done $0x0  }
0x5f: {  	s30 =	sadd.s32 $0xA00000, s0;
	s29 =	simm.s32 $0xA;
	[sflag:s12] =	ssyncadd.s32 $0xFFFFE000  }
0x60: {  	s28 =	simm.s32 $0x500;
	s26 =	sadd.s32 s11, s23;
	_ =	swait.ge [sflag:s29], $0x2000  }
.LBB2_2:
0x61: {  	s4 =	simm.s32 $0xA;
	s3 =	rddreg [dreg:$0x6]  }
0x62: {  	s0 =	smov.u32 s19;
	s15 =	smov.u32 s5;
	s6 =	rddreg [dreg:$0x4]  }
0x63: {  	s11 =	sadd.s32 @!p0 $0xFFFFFF80, s7;
	s23 =	simm.s32 @!p0 $0x7900;
	s8 =	rddreg [dreg:$0x5]  }
0x64: {  	s29 =	simm.s32 $0x80;
	s12 =	simm.s32 $0x40;
	[sflag:s4] =	ssyncset.done $0x0  }
0x65: {  	s10 =	simm.s32 $0x6;
	[dreg:$0x9] =	wrdreg s0;
	[sflag:s4] =	ssyncadd.s32 $0xFFFFE000  }
0x66: {  	[tilespmem:s23], [sflag:$0x4] =	stream.indirect.gather @!p0 [hbm4b:s6+s31], $0x40, s11, s31, $0xb8;
	[tilespmem:$0xD900] =	vst v63  }
0x67: {  	[dreg:$0x6] =	wrdreg s15;
	s4 =	simm.s32 $0x9900;
	s23 =	sor.u32 s8, s24  }
0x68: {  	[hbm4b:s1+s12] =	stream.strided.scatter [tilespmem:s4], [sflag:$0xB], $0x2000, s29, s12, $0x38;
	[tilespmem:$0xD900] =	vst v63  }
0x69: {  	s24 =	smov.u32 s17;
	s11 =	sshrl.u32 s23, $0x3;
	_ =	swait.ge [sflag:s10], $0x2000  }
0x6a: {  	s23 =	smov.u32 s26;
	[sflag:s10] =	ssyncset.done $0x0;
	s15 =	rddreg [dreg:$0x8]  }
0x6b: {  	s4 =	simm.s32 $0xB;
	[dreg:$0x8] =	wrdreg s23;
	[sflag:s10] =	ssyncadd.s32 $0xFFFFE000  }
0x6c: {  	s17 =	smov.u32 s14;
	s26 =	simm.s32 @!p0 $0x9900;
	_ =	swait.ge [sflag:s4], $0x2000  }
0x6d: {  	s14 =	smov.u32 s15;
	[sflag:s4] =	ssyncset.done $0x0;
	s10 =	rddreg [dreg:$0x7]  }
0x6e: {  	s15 =	smov.u32 s11;
	[sflag:s4] =	ssyncadd.s32 $0xFFFFE000;
	s4 =	rddreg [dreg:$0x3]  }
0x6f: {  	[tilespmem:s26], [sflag:$0x5] =	stream.indirect.gather @!p0 [hbm4b:s6+s31], $0x40, s28, s31, $0xb8;
	[tilespmem:$0xD900] =	vst v63  }
0x70: {  	s26 =	sadd.s32 s4, s16;
	s16 =	smov.u32 s10;
	s10 =	simm.s32 $0xB900  }
0x71: {  	[hbm4b:s26+s12] =	stream.strided.scatter [tilespmem:s10], [sflag:$0xC], $0x2000, s29, s12, $0x38;
	[tilespmem:$0xD900] =	vst v63  }
0x72: {  	[dreg:$0x7] =	wrdreg s15;
	s26 =	simm.s32 $0x1  }
0x73: {  	_ =	swait.ge [sflag:s26], $0x2000  }
0x74: {  	s19 =	smov.u32 s13;
	p2 =	seq.s32 s9, $0xFFFFFFEC;
	[sflag:s26] =	ssyncset.done $0x0  }
0x75: {  	s13 =	sadd.s32 $0x6, s13;
	s23 =	simm.s32 @!p2 $0xC;
	[sflag:s26] =	ssyncadd.s32 $0xFFFFE000  }
0x76: {  	s7 =	sadd.s32 $0x300, s7;
	s2 =	sadd.s32 $0x300000, s2;
	_ =	swait.ge @!p2 [sflag:s23], $0x2000  }
0x77: {  	s22 =	sadd.s32 $0x10, s22;
	s0 =	smov.u32 s3;
	[sflag:s23] =	ssyncset.done @!p2 $0x0  }
0x78: {  	p1 =	sne.s32 s13, $0x1C;
	s3 =	sadd.s32 $0xFFFFFD80, s7;
	[sflag:s23] =	ssyncadd.s32 @!p2 $0xFFFFE000  }
0x79: {  	[tilespmem:s10], [sflag:$0x6] =	stream.indirect.gather [hbm4b:s6+s29], $0x40, s3, s29, $0xb8;
	[tilespmem:$0xD900] =	vst v63  }
0x7a: {  	s15 =	simm.s32 $0x1900;
	s23 =	simm.s32 $0x2;
	s10 =	sadd.s32 s4, s25  }
0x7b: {  	[hbm4b:s10+s12] =	stream.strided.scatter [tilespmem:s15], [sflag:$0x7], $0x2000, s29, s12, $0x38;
	[tilespmem:$0xD900] =	vst v63  }
0x7c: {  	s1 =	smov.u32 s20;
	s20 =	smov.u32 s30;
	_ =	swait.ge [sflag:s23], $0x2000  }
0x7d: {  	s30 =	sadd.s32 $0x15, s19;
	s1 =	sshrl.u32 s1, $0x3;
	[sflag:s23] =	ssyncset.done $0x0  }
0x7e: {  	p3 =	slt.u32 s30, $0x19;
	s25 =	simm.s32 $0x7;
	[sflag:s23] =	ssyncadd.s32 $0xFFFFE000  }
0x7f: {  	s11 =	simm.s32 $0x40;
	s14 =	sadd.s32 $0xA00000, s14;
	_ =	swait.ge [sflag:s25], $0x2000  }
0x80: {  	s14 =	sshrl.u32 s14, $0x3;
	s28 =	smov.u32 s7;
	[sflag:s25] =	ssyncset.done $0x0  }
0x81: {  	s26 =	sadd.s32 $0xFFFFFE00, s7;
	s10 =	sadd.s32 s4, s18;
	[sflag:s25] =	ssyncadd.s32 $0xFFFFE000  }
0x82: {  	[tilespmem:s15], [sflag:$0x1] =	stream.indirect.gather [hbm4b:s6+s29], $0x40, s26, s29, $0xb8;
	[tilespmem:$0xD900] =	vst v63  }
0x83: {  	s18 =	smov.u32 s21;
	s21 =	simm.s32 $0x3;
	s15 =	simm.s32 $0x3900  }
0x84: {  	[hbm4b:s10+s12] =	stream.strided.scatter [tilespmem:s15], [sflag:$0x8], $0x2000, s29, s12, $0x38;
	[tilespmem:$0xD900] =	vst v63  }
0x85: {  	p0 =	seq.s32 s9, $0x16;
	s1 =	sadd.s32 s4, s1;
	_ =	swait.ge [sflag:s21], $0x2000  }
0x86: {  	s31 =	simm.s32 @!p0 $0x80;
	p2 =	sgt.u32 s5, $0x4;
	[sflag:s21] =	ssyncset.done $0x0  }
0x87: {  	s11 =	simm.s32 @!p2 $0x4;
	s23 =	simm.s32 $0x8;
	[sflag:s21] =	ssyncadd.s32 $0xFFFFE000  }
0x88: {  	p2 =	slt.u32 s5, $0x5;
	s5 =	sadd.s32 $0x1, s5;
	_ =	swait.ge [sflag:s23], $0x2000  }
0x89: {  	s3 =	simm.s32 $0x4;
	p4 =	slt.u32 s5, $0x4;
	[sflag:s23] =	ssyncset.done $0x0  }
0x8a: {  	s25 =	sadd.s32 $0xFFFFFE80, s7;
	s21 =	sadd.s32 $0xFF380000, s2;
	[sflag:s23] =	ssyncadd.s32 $0xFFFFE000  }
0x8b: {  	[tilespmem:s15], [sflag:$0x2] =	stream.indirect.gather [hbm4b:s6+s29], $0x40, s25, s29, $0xb8;
	[tilespmem:$0xD900] =	vst v63  }
0x8c: {  	s26 =	simm.s32 $0x5900;
	s21 =	smov.u32 @p2 s2;
	p2 =	sgt.u32 s0, $0x3  }
0x8d: {  	[hbm4b:s1+s12] =	stream.strided.scatter [tilespmem:s26], [sflag:$0x9], $0x2000, s29, s12, $0x38;
	[tilespmem:$0xD900] =	vst v63  }
0x8e: {  	s10 =	sor.u32 s21, s11;
	s11 =	simm.s32 @!p0 $0x5900;
	_ =	swait.ge [sflag:s3], $0x2000  }
0x8f: {  	s0 =	sor.u32 s8, s10;
	s23 =	sadd.s32 @!p0 $0xFFFFFF00, s7;
	[sflag:s3] =	ssyncset.done $0x0  }
0x90: {  	s10 =	simm.s32 $0x2;
	s15 =	simm.s32 $0x9;
	[sflag:s3] =	ssyncadd.s32 $0xFFFFE000  }
0x91: {  	s25 =	sshrl.u32 s0, $0x3;
	s0 =	sadd.s32 $0xFFFFFFFC, s19;
	_ =	swait.ge [sflag:s15], $0x2000  }
0x92: {  	s10 =	simm.s32 @!p4 $0xFFFFFFE9;
	s0 =	smov.u32 @p3 s30;
	s21 =	rddreg [dreg:$0x2]  }
0x93: {  	s10 =	sadd.s32 s19, s10;
	[sflag:s15] =	ssyncset.done $0x0;
	s21 =	simm.s32 @!p2 $0x3  }
0x94: {  	s1 =	sadd.s32 s4, s14;
	[sflag:s15] =	ssyncadd.s32 $0xFFFFE000;
	s9 =	sadd.s32 s9, s21  }
0x95: {  	[tilespmem:s11], [sflag:$0x3] =	stream.indirect.gather @!p0 [hbm4b:s6+s31], $0x40, s23, s31, $0xb8;
	[tilespmem:$0xD900] =	vst v63  }
0x96: {  	s14 =	sand.u32 $0x40, s22;
	s26 =	sadd.s32 $0x19, s19;
	s9 =	sshll.u32 s9, $0x13  }
0x97: {  	s0 =	sshll.u32 s0, $0x13;
	s10 =	sshll.u32 s10, $0x13;
	s9 =	sor.u32 s24, s9  }
0x98: {  	s0 =	sor.u32 s14, s0;
	s3 =	simm.s32 $0x4;
	s9 =	sadd.s32 s8, s9  }
0x99: {  	s3 =	simm.s32 @!p4 $0xFFFFFFEB;
	s21 =	smov.u32 s19;
	s9 =	sadd.s32 $0xA00000, s9  }
0x9a: {  	s23 =	simm.s32 $0x5;
	s21 =	smov.u32 @p4 s26;
	s9 =	sshrl.u32 s9, $0x3  }
0x9b: {  	s15 =	sshll.u32 s21, $0x13;
	s21 =	simm.s32 $0x7900;
	s9 =	sadd.s32 s4, s9  }
0x9c: {  	[hbm4b:s9+s12] =	stream.strided.scatter [tilespmem:s21], [sflag:$0xA], $0x2000, s29, s12, $0x38;
	[tilespmem:$0xD900] =	vst v63  }
0x9d: {  	s0 =	sor.u32 s8, s0;
	s3 =	sadd.s32 s19, s3;
	_ =	swait.ge [sflag:s23], $0x2000  }
.Ltmp0:
0x9e: {  	s3 =	sshll.u32 s3, $0x13;
	[sflag:s23] =	ssyncset.done $0x0;
	(pc) =	sbr.rel @p1 .LBB2_2-.Ltmp0, $4  }
0x9f: {  	s26 =	sor.u32 s14, s10;
	s29 =	simm.s32 $0xA;
	[sflag:s23] =	ssyncadd.s32 $0xFFFFE000  }
0xa0: {  	s21 =	sshrl.u32 s0, $0x3;
	s0 =	sadd.s32 s8, s26;
	_ =	swait.ge [sflag:s29], $0x2000  }
0xa1: {  	s3 =	sor.u32 s14, s3;
	s30 =	sadd.s32 $0xA00000, s0;
	s0 =	rddreg [dreg:$0x9]  }
0xa2: {  	s24 =	sor.u32 s14, s15;
	s26 =	sadd.s32 s8, s3;
	s9 =	smov.u32 s0  }
0xa3: {  	s0 =	simm.s32 $0xA  }
0xa4: {  	s3 =	simm.s32 @!p0 $0x7900;
	s4 =	rddreg [dreg:$0x4];
	[sflag:s0] =	ssyncset.done $0x0  }
0xa5: {  	s11 =	simm.s32 $0x80;
	[sflag:s0] =	ssyncadd.s32 $0xFFFFE000;
	s0 =	sadd.s32 @!p0 $0xFFFFFF80, s7  }
0xa6: {  	[tilespmem:s3], [sflag:$0x4] =	stream.indirect.gather @!p0 [hbm4b:s4+s31], $0x40, s0, s31, $0xb8;
	[tilespmem:$0xD900] =	vst v63  }
0xa7: {  	s10 =	simm.s32 $0x9900;
	s29 =	simm.s32 $0x40;
	s22 =	simm.s32 $0x6  }
0xa8: {  	[hbm4b:s1+s29] =	stream.strided.scatter [tilespmem:s10], [sflag:$0xB], $0x2000, s11, s29, $0x38;
	[tilespmem:$0xD900] =	vst v63  }
0xa9: {  	_ =	swait.ge [sflag:s22], $0x2000  }
0xaa: {  	[sflag:s22] =	ssyncset.done $0x0  }
0xab: {  	s23 =	simm.s32 $0xB;
	[sflag:s22] =	ssyncadd.s32 $0xFFFFE000  }
0xac: {  	_ =	swait.ge [sflag:s23], $0x2000  }
0xad: {  	[sflag:s23] =	ssyncset.done $0x0  }
0xae: {  	s0 =	simm.s32 @!p0 $0x9900;
	s13 =	rddreg [dreg:$0x3];
	[sflag:s23] =	ssyncadd.s32 $0xFFFFE000  }
0xaf: {  	[tilespmem:s0], [sflag:$0x5] =	stream.indirect.gather @!p0 [hbm4b:s4+s31], $0x40, s28, s31, $0xb8;
	[tilespmem:$0xD900] =	vst v63  }
0xb0: {  	s15 =	simm.s32 $0xB900;
	s12 =	sadd.s32 s13, s16;
	s28 =	simm.s32 $0x1  }
0xb1: {  	[hbm4b:s12+s29] =	stream.strided.scatter [tilespmem:s15], [sflag:$0xC], $0x2000, s11, s29, $0x38;
	[tilespmem:$0xD900] =	vst v63  }
0xb2: {  	_ =	swait.ge [sflag:s28], $0x2000  }
0xb3: {  	p0 =	seq.s32 s9, $0xFFFFFFEC;
	[sflag:s28] =	ssyncset.done $0x0  }
0xb4: {  	s1 =	simm.s32 @!p0 $0xC;
	[sflag:s28] =	ssyncadd.s32 $0xFFFFE000  }
0xb5: {  	_ =	swait.ge @!p0 [sflag:s1], $0x2000  }
0xb6: {  	s0 =	sadd.s32 $0x300, s7;
	[sflag:s1] =	ssyncset.done @!p0 $0x0  }
0xb7: {  	s16 =	simm.s32 $0xB900;
	s31 =	sadd.s32 $0xFFFFFD80, s0;
	[sflag:s1] =	ssyncadd.s32 @!p0 $0xFFFFE000  }
0xb8: {  	[tilespmem:s16], [sflag:$0x6] =	stream.indirect.gather [hbm4b:s4+s11], $0x40, s31, s11, $0xb8;
	[tilespmem:$0xD900] =	vst v63  }
0xb9: {  	s6 =	sadd.s32 s13, s25;
	s7 =	simm.s32 $0x1900;
	s16 =	simm.s32 $0x2  }
0xba: {  	[hbm4b:s6+s29] =	stream.strided.scatter [tilespmem:s7], [sflag:$0x7], $0x2000, s11, s29, $0x38;
	[tilespmem:$0xD900] =	vst v63  }
0xbb: {  	_ =	swait.ge [sflag:s16], $0x2000  }
0xbc: {  	[sflag:s16] =	ssyncset.done $0x0  }
0xbd: {  	s25 =	simm.s32 $0x7;
	[sflag:s16] =	ssyncadd.s32 $0xFFFFE000  }
0xbe: {  	_ =	swait.ge [sflag:s25], $0x2000  }
0xbf: {  	[sflag:s25] =	ssyncset.done $0x0  }
0xc0: {  	s8 =	sadd.s32 $0xFFFFFE00, s0;
	[sflag:s25] =	ssyncadd.s32 $0xFFFFE000  }
0xc1: {  	[tilespmem:s7], [sflag:$0x1] =	stream.indirect.gather [hbm4b:s4+s11], $0x40, s8, s11, $0xb8;
	[tilespmem:$0xD900] =	vst v63  }
0xc2: {  	s10 =	sadd.s32 s13, s18;
	s12 =	simm.s32 $0x3900;
	s31 =	simm.s32 $0x3  }
0xc3: {  	[hbm4b:s10+s29] =	stream.strided.scatter [tilespmem:s12], [sflag:$0x8], $0x2000, s11, s29, $0x38;
	[tilespmem:$0xD900] =	vst v63  }
0xc4: {  	_ =	swait.ge [sflag:s31], $0x2000  }
0xc5: {  	[sflag:s31] =	ssyncset.done $0x0  }
0xc6: {  	s18 =	simm.s32 $0x8;
	[sflag:s31] =	ssyncadd.s32 $0xFFFFE000  }
0xc7: {  	_ =	swait.ge [sflag:s18], $0x2000  }
0xc8: {  	s20 =	sshrl.u32 s20, $0x3;
	[sflag:s18] =	ssyncset.done $0x0  }
0xc9: {  	s15 =	sadd.s32 $0xFFFFFE80, s0;
	s6 =	simm.s32 $0x3900;
	[sflag:s18] =	ssyncadd.s32 $0xFFFFE000  }
0xca: {  	[tilespmem:s6], [sflag:$0x2] =	stream.indirect.gather [hbm4b:s4+s11], $0x40, s15, s11, $0xb8;
	[tilespmem:$0xD900] =	vst v63  }
0xcb: {  	s8 =	simm.s32 $0x4;
	s6 =	sadd.s32 s13, s20;
	s20 =	simm.s32 $0x5900  }
0xcc: {  	[hbm4b:s6+s29] =	stream.strided.scatter [tilespmem:s20], [sflag:$0x9], $0x2000, s11, s29, $0x38;
	[tilespmem:$0xD900] =	vst v63  }
0xcd: {  	_ =	swait.ge [sflag:s8], $0x2000  }
0xce: {  	[sflag:s8] =	ssyncset.done $0x0  }
0xcf: {  	s12 =	simm.s32 $0x9;
	[sflag:s8] =	ssyncadd.s32 $0xFFFFE000  }
0xd0: {  	p0 =	seq.s32 s9, $0x16;
	_ =	swait.ge [sflag:s12], $0x2000  }
0xd1: {  	s1 =	simm.s32 @!p0 $0x5900;
	[sflag:s12] =	ssyncset.done $0x0  }
0xd2: {  	s7 =	sadd.s32 @!p0 $0xFFFFFF00, s0;
	s10 =	simm.s32 @!p0 $0x80;
	[sflag:s12] =	ssyncadd.s32 $0xFFFFE000  }
0xd3: {  	[tilespmem:s1], [sflag:$0x3] =	stream.indirect.gather @!p0 [hbm4b:s4+s10], $0x40, s7, s10, $0xb8;
	[tilespmem:$0xD900] =	vst v63  }
0xd4: {  	s7 =	rddreg [dreg:$0x6]  }
0xd5: {  	s3 =	rddreg [dreg:$0x2];
	p1 =	sgt.u32 s7, $0x3  }
0xd6: {  	s3 =	simm.s32 @!p1 $0x3  }
0xd7: {  	s9 =	sadd.s32 s9, s3  }
0xd8: {  	s1 =	sshll.u32 s9, $0x13  }
0xd9: {  	s6 =	rddreg [dreg:$0x5];
	s1 =	sor.u32 s17, s1  }
0xda: {  	s1 =	sadd.s32 s6, s1  }
0xdb: {  	s1 =	sadd.s32 $0xA00000, s1  }
0xdc: {  	s1 =	sshrl.u32 s1, $0x3  }
0xdd: {  	s15 =	simm.s32 $0x7900;
	s1 =	sadd.s32 s13, s1  }
0xde: {  	[hbm4b:s1+s29] =	stream.strided.scatter [tilespmem:s15], [sflag:$0xA], $0x2000, s11, s29, $0x38;
	[tilespmem:$0xD900] =	vst v63  }
0xdf: {  	s15 =	simm.s32 $0x5  }
0xe0: {  	_ =	swait.ge [sflag:s15], $0x2000  }
0xe1: {  	[sflag:s15] =	ssyncset.done $0x0  }
0xe2: {  	s17 =	simm.s32 $0xA;
	[sflag:s15] =	ssyncadd.s32 $0xFFFFE000  }
0xe3: {  	_ =	swait.ge [sflag:s17], $0x2000  }
0xe4: {  	[sflag:s17] =	ssyncset.done $0x0  }
0xe5: {  	s3 =	simm.s32 @!p0 $0x7900;
	s1 =	sadd.s32 @!p0 $0xFFFFFF80, s0;
	[sflag:s17] =	ssyncadd.s32 $0xFFFFE000  }
0xe6: {  	[tilespmem:s3], [sflag:$0x4] =	stream.indirect.gather @!p0 [hbm4b:s4+s10], $0x40, s1, s10, $0xb8;
	[tilespmem:$0xD900] =	vst v63  }
0xe7: {  	s3 =	rddreg [dreg:$0x8]  }
0xe8: {  	s1 =	sadd.s32 $0xA00000, s3  }
0xe9: {  	s1 =	sshrl.u32 s1, $0x3  }
0xea: {  	s17 =	simm.s32 $0x9900;
	s1 =	sadd.s32 s13, s1  }
0xeb: {  	[hbm4b:s1+s29] =	stream.strided.scatter [tilespmem:s17], [sflag:$0xB], $0x2000, s11, s29, $0x38;
	[tilespmem:$0xD900] =	vst v63  }
0xec: {  	_ =	swait.ge [sflag:s22], $0x2000  }
0xed: {  	[sflag:s22] =	ssyncset.done $0x0  }
0xee: {  	[sflag:s22] =	ssyncadd.s32 $0xFFFFE000  }
0xef: {  	_ =	swait.ge [sflag:s23], $0x2000  }
0xf0: {  	s1 =	simm.s32 @!p0 $0x9900;
	[sflag:s23] =	ssyncset.done $0x0;
	s7 =	rddreg [dreg:$0x7]  }
0xf1: {  	[sflag:s23] =	ssyncadd.s32 $0xFFFFE000;
	s3 =	sadd.s32 s13, s7;
	s7 =	simm.s32 $0xB900  }
0xf2: {  	[tilespmem:s1], [sflag:$0x5] =	stream.indirect.gather @!p0 [hbm4b:s4+s10], $0x40, s0, s10, $0xb8;
	[tilespmem:$0xD900] =	vst v63  }
0xf3: {  	p0 =	sgt.u32 s5, $0x4;
	s1 =	sadd.s32 $0x300000, s2;
	s2 =	simm.s32 $0x40  }
0xf4: {  	[hbm4b:s3+s29] =	stream.strided.scatter [tilespmem:s7], [sflag:$0xC], $0x2000, s11, s29, $0x38;
	[tilespmem:$0xD900] =	vst v63  }
0xf5: {  	p1 =	seq.s32 s19, $0xFFFFFFEC;
	s2 =	simm.s32 @!p0 $0x4;
	_ =	swait.ge [sflag:s28], $0x2000  }
0xf6: {  	p0 =	slt.u32 s5, $0x5;
	s3 =	sadd.s32 $0xFF380000, s1;
	[sflag:s28] =	ssyncset.done $0x0  }
0xf7: {  	s3 =	smov.u32 @p0 s1;
	s1 =	simm.s32 @!p1 $0xC;
	[sflag:s28] =	ssyncadd.s32 $0xFFFFE000  }
0xf8: {  	s2 =	sor.u32 s3, s2;
	_ =	swait.ge @!p1 [sflag:s1], $0x2000  }
0xf9: {  	s0 =	sadd.s32 $0x300, s0;
	s2 =	sor.u32 s6, s2;
	[sflag:s1] =	ssyncset.done @!p1 $0x0  }
0xfa: {  	s10 =	sadd.s32 $0xFFFFFD80, s0;
	s2 =	sshrl.u32 s2, $0x3;
	[sflag:s1] =	ssyncadd.s32 @!p1 $0xFFFFE000  }
0xfb: {  	[tilespmem:s7], [sflag:$0x6] =	stream.indirect.gather [hbm4b:s4+s11], $0x40, s10, s11, $0xb8;
	[tilespmem:$0xD900] =	vst v63  }
0xfc: {  	s3 =	sadd.s32 s13, s2;
	s7 =	simm.s32 $0x1900  }
0xfd: {  	[hbm4b:s3+s29] =	stream.strided.scatter [tilespmem:s7], [sflag:$0x7], $0x2000, s11, s29, $0x38;
	[tilespmem:$0xD900] =	vst v63  }
0xfe: {  	_ =	swait.ge [sflag:s16], $0x2000  }
0xff: {  	[sflag:s16] =	ssyncset.done $0x0  }
0x100: {  	[sflag:s16] =	ssyncadd.s32 $0xFFFFE000  }
0x101: {  	_ =	swait.ge [sflag:s25], $0x2000  }
0x102: {  	[sflag:s25] =	ssyncset.done $0x0  }
0x103: {  	s10 =	sadd.s32 $0xFFFFFE00, s0;
	[sflag:s25] =	ssyncadd.s32 $0xFFFFE000  }
0x104: {  	[tilespmem:s7], [sflag:$0x1] =	stream.indirect.gather [hbm4b:s4+s11], $0x40, s10, s11, $0xb8;
	[tilespmem:$0xD900] =	vst v63  }
0x105: {  	s3 =	sadd.s32 s13, s21;
	s7 =	simm.s32 $0x3900  }
0x106: {  	[hbm4b:s3+s29] =	stream.strided.scatter [tilespmem:s7], [sflag:$0x8], $0x2000, s11, s29, $0x38;
	[tilespmem:$0xD900] =	vst v63  }
0x107: {  	_ =	swait.ge [sflag:s31], $0x2000  }
0x108: {  	[sflag:s31] =	ssyncset.done $0x0  }
0x109: {  	[sflag:s31] =	ssyncadd.s32 $0xFFFFE000  }
0x10a: {  	_ =	swait.ge [sflag:s18], $0x2000  }
0x10b: {  	[sflag:s18] =	ssyncset.done $0x0  }
0x10c: {  	s30 =	sshrl.u32 s30, $0x3;
	s21 =	sadd.s32 $0xFFFFFE80, s0;
	[sflag:s18] =	ssyncadd.s32 $0xFFFFE000  }
0x10d: {  	[tilespmem:s7], [sflag:$0x2] =	stream.indirect.gather [hbm4b:s4+s11], $0x40, s21, s11, $0xb8;
	[tilespmem:$0xD900] =	vst v63  }
0x10e: {  	s7 =	sadd.s32 s13, s30  }
0x10f: {  	[hbm4b:s7+s29] =	stream.strided.scatter [tilespmem:s20], [sflag:$0x9], $0x2000, s11, s29, $0x38;
	[tilespmem:$0xD900] =	vst v63  }
0x110: {  	_ =	swait.ge [sflag:s8], $0x2000  }
0x111: {  	[sflag:s8] =	ssyncset.done $0x0  }
0x112: {  	p0 =	seq.s32 s19, $0x16;
	[sflag:s8] =	ssyncadd.s32 $0xFFFFE000  }
0x113: {  	s1 =	simm.s32 @!p0 $0x5900;
	p1 =	sgt.u32 s5, $0x3;
	_ =	swait.ge [sflag:s12], $0x2000  }
0x114: {  	s3 =	sadd.s32 @!p0 $0xFFFFFF00, s0;
	s2 =	rddreg [dreg:$0x2];
	[sflag:s12] =	ssyncset.done $0x0  }
0x115: {  	s7 =	simm.s32 @!p0 $0x80;
	[sflag:s12] =	ssyncadd.s32 $0xFFFFE000;
	s2 =	simm.s32 @!p1 $0x3  }
0x116: {  	[tilespmem:s1], [sflag:$0x3] =	stream.indirect.gather @!p0 [hbm4b:s4+s7], $0x40, s3, s7, $0xb8;
	[tilespmem:$0xD900] =	vst v63  }
0x117: {  	s12 =	sadd.s32 s19, s2  }
0x118: {  	s1 =	sshll.u32 s12, $0x13  }
0x119: {  	s1 =	sor.u32 s14, s1  }
0x11a: {  	s1 =	sadd.s32 s6, s1  }
0x11b: {  	s1 =	sadd.s32 $0xA00000, s1  }
0x11c: {  	s1 =	sshrl.u32 s1, $0x3  }
0x11d: {  	s19 =	simm.s32 $0x7900;
	s1 =	sadd.s32 s13, s1  }
0x11e: {  	[hbm4b:s1+s29] =	stream.strided.scatter [tilespmem:s19], [sflag:$0xA], $0x2000, s11, s29, $0x38;
	[tilespmem:$0xD900] =	vst v63  }
0x11f: {  	_ =	swait.ge [sflag:s15], $0x2000  }
0x120: {  	[sflag:s15] =	ssyncset.done $0x0  }
0x121: {  	s9 =	simm.s32 $0xA;
	[sflag:s15] =	ssyncadd.s32 $0xFFFFE000  }
0x122: {  	_ =	swait.ge [sflag:s9], $0x2000  }
0x123: {  	s20 =	sadd.s32 $0xA00000, s26;
	[sflag:s9] =	ssyncset.done $0x0  }
0x124: {  	s2 =	simm.s32 @!p0 $0x7900;
	s1 =	sadd.s32 @!p0 $0xFFFFFF80, s0;
	[sflag:s9] =	ssyncadd.s32 $0xFFFFE000  }
0x125: {  	[tilespmem:s2], [sflag:$0x4] =	stream.indirect.gather @!p0 [hbm4b:s4+s7], $0x40, s1, s7, $0xb8;
	[tilespmem:$0xD900] =	vst v63  }
0x126: {  	s1 =	sshrl.u32 s20, $0x3  }
0x127: {  	s1 =	sadd.s32 s13, s1  }
0x128: {  	[hbm4b:s1+s29] =	stream.strided.scatter [tilespmem:s17], [sflag:$0xB], $0x2000, s11, s29, $0x38;
	[tilespmem:$0xD900] =	vst v63  }
0x129: {  	_ =	swait.ge [sflag:s22], $0x2000  }
0x12a: {  	[sflag:s22] =	ssyncset.done $0x0  }
0x12b: {  	[sflag:s22] =	ssyncadd.s32 $0xFFFFE000  }
0x12c: {  	_ =	swait.ge [sflag:s23], $0x2000  }
0x12d: {  	[sflag:s23] =	ssyncset.done $0x0  }
0x12e: {  	s1 =	simm.s32 @!p0 $0x9900;
	s22 =	sor.u32 s6, s24;
	[sflag:s23] =	ssyncadd.s32 $0xFFFFE000  }
0x12f: {  	[tilespmem:s1], [sflag:$0x5] =	stream.indirect.gather @!p0 [hbm4b:s4+s7], $0x40, s0, s7, $0xb8;
	[tilespmem:$0xD900] =	vst v63  }
0x130: {  	s0 =	sshrl.u32 s22, $0x3  }
0x131: {  	s23 =	simm.s32 $0xB900;
	s0 =	sadd.s32 s13, s0  }
0x132: {  	[hbm4b:s0+s29] =	stream.strided.scatter [tilespmem:s23], [sflag:$0xC], $0x2000, s11, s29, $0x38;
	[tilespmem:$0xD900] =	vst v63  }
0x133: {  	_ =	swait.ge [sflag:s28], $0x2000  }
0x134: {  	[sflag:s28] =	ssyncset.done $0x0  }
0x135: {  	s24 =	simm.s32 $0xC;
	[sflag:s28] =	ssyncadd.s32 $0xFFFFE000  }
0x136: {  	_ =	swait.ge [sflag:s24], $0x2000  }
0x137: {  	[sflag:s24] =	ssyncset.done $0x0  }
0x138: {  	s10 =	simm.s32 $0x1900;
	s26 =	rddreg [dreg:$0xb];
	[sflag:s24] =	ssyncadd.s32 $0xFFFFE000  }
0x139: {  	[hbm4b:s26+s29] =	stream.strided.scatter [tilespmem:s10], [sflag:$0x7], $0x2000, s11, s29, $0x38;
	[tilespmem:$0xD900] =	vst v63  }
0x13a: {  	_ =	swait.ge [sflag:s16], $0x2000  }
0x13b: {  	[sflag:s16] =	ssyncset.done $0x0  }
0x13c: {  	s31 =	simm.s32 $0x3900;
	s28 =	rddreg [dreg:$0xc];
	[sflag:s16] =	ssyncadd.s32 $0xFFFFE000  }
0x13d: {  	[hbm4b:s28+s29] =	stream.strided.scatter [tilespmem:s31], [sflag:$0x8], $0x2000, s11, s29, $0x38;
	[tilespmem:$0xD900] =	vst v63  }
0x13e: {  	_ =	swait.ge [sflag:s25], $0x2000  }
0x13f: {  	[sflag:s25] =	ssyncset.done $0x0  }
0x140: {  	[sflag:s25] =	ssyncadd.s32 $0xFFFFE000  }
0x141: {  	_ =	swait.ge [sflag:s18], $0x2000  }
0x142: {  	s30 =	rddreg [dreg:$0xe]  }
0x143: {  	s31 =	rddreg [dreg:$0xd];
	s1 =	sadd.s32 $0x1, s30  }
0x144: {  	p0 =	sne.s32 s1, s31  }
.Ltmp1:
0x145: {  	_ = 	snop;
	(pc) =	sbr.rel @p0 .LBB2_1-.Ltmp1, $3  }
0x146: {  	_ =	sdelay $0x1  }
0x147: {  	[sflag:s18] =	ssyncset.done $0x0  }
0x148: {  	s4 =	simm.s32 $0xB900;
	[sflag:s18] =	ssyncadd.s32 $0xFFFFE000  }
0x149: {  	_ =	sfence.sel $0x180000  }
0x14a: {  	[bflag:$0x0] =	sbarrier.arrive $0xFFFF  }
0x14b: {  	_ =	strace $0x90000047  }
0x14c: {  	s0 =	stileid.u32;
	[bflag:$0x2] =	sbarrier.arrive $0xFFFF  }
0x14d: {  	p0 =	sne.s32 s0, $0x0;
	s0 =	rddreg [dreg:$0x1]  }
0x14e: {  	s0 =	sadd.s32 @!p0 $0x100000, s0  }
0x14f: {  	[sflag:s0] =	ssyncadd.tile.s32 @!p0 $0x1;
	_ =	shalt  }
.Lfunc_end2:
_tile_overlayer_lowered:
.L_overlay_start_2:
0x150: {  	(tag) =	ssettag $0x2  }
0x151: {  	s0 =	rddreg [dreg:$0x0];
	s2 =	stileid.u32  }
0x152: {  	s1 =	rddreg [dreg:$0x1];
	p0 =	sne.s32 s2, $0x0  }
0x153: {  	s3 =	rddreg [dreg:$0x2];
	[bflag:$0x3] =	sbarrier.arrive $0xFFFF;
	s2 =	simm.s32 @!p0 $0x1C0D  }
0x154: {  	[timem:s3], [sflag:s2] =	dma.local @!p0 [hbm:s0], s1  }
0x155: {  	s0 =	simm.s32 @!p0 $0xD  }
0x156: {  	_ =	swait.ge @!p0 [sflag:s0], s1  }
0x157: {  	s1 =	ssub.s32 @!p0 $0x0, s1;
	[sflag:s0] =	ssyncset.done @!p0 $0x0  }
0x158: {  	[sflag:s0] =	ssyncadd.s32 @!p0 s1  }
0x159: {  	[bflag:$0x3] =	sbarrier.arrive $0xFFFF  }
0x15a: {  	_ =	shalt  }

</sc_bundles>
